<compile_context>
chip_gen: v7x
topology: tpu7x:2x2x1
jax: 0.10.2.dev20260603
libtpu: 0.0.44.dev20260713+nightly
codegen_flags: <defaults>
</compile_context>

<pallas_src>
import jax
import jax.numpy as jnp
from jax import lax
from jax.experimental import pallas as pl
from jax.experimental.pallas import tpu as pltpu
from jax.experimental.pallas import tpu_sc as plsc

_BATCH = 16384
_IN_F = 512
_OUT_F = 64
_NC = 2
_NS = 16
_NW = _NC * _NS
_ROWS_PER_W = _BATCH // _NW
_R = 64
_CHUNKS = _ROWS_PER_W // _R
_L = 16
_NG = _OUT_F // _L


def _body(x_hbm, cols_hbm, out_hbm, cols_v, x_v, out_v):
    wid = lax.axis_index("s") * _NC + lax.axis_index("c")
    pltpu.sync_copy(cols_hbm, cols_v)
    colv = [cols_v[pl.ds(g * _L, _L)] for g in range(_NG)]
    row0 = wid * _ROWS_PER_W
    for c in range(_CHUNKS):
        base = row0 + c * _R
        pltpu.sync_copy(x_hbm.at[pl.ds(base * _IN_F, _R * _IN_F)], x_v)

        def row_body(r, carry):
            rb = r * _IN_F
            ob = r * _OUT_F
            for g in range(_NG):
                out_v[pl.ds(ob + g * _L, _L)] = plsc.load_gather(
                    x_v, [colv[g] + rb])
            return carry

        lax.fori_loop(0, _R, row_body, 0)
        pltpu.sync_copy(out_v, out_hbm.at[pl.ds(base * _OUT_F, _R * _OUT_F)])


def kernel(x, columns):
    mesh = plsc.VectorSubcoreMesh(core_axis_name="c", subcore_axis_name="s")
    out_flat = pl.kernel(
        _body,
        mesh=mesh,
        compiler_params=pltpu.CompilerParams(needs_layout_passes=False),
        out_type=jax.ShapeDtypeStruct((_BATCH * _OUT_F,), jnp.float32),
        scratch_types=[
            pltpu.VMEM((_OUT_F,), jnp.int32),
            pltpu.VMEM((_R * _IN_F,), jnp.float32),
            pltpu.VMEM((_R * _OUT_F,), jnp.float32),
        ],
    )(x.reshape(-1), columns)
    return out_flat.reshape(_BATCH, _OUT_F)

# --- scband reference (transcript-rebuilt; emitter-appended) ---
"""Pipeline reference for scband-dimensionality-reduction-12266426597706 (READ-ONLY COPY).

The authoritative reference and input builder live on the scoring server;
editing this copy changes nothing except your own understanding.
"""

import jax, jax.numpy as jnp
import numpy as np

BATCH = 16384
IN_FEATURES = 512
OUT_FEATURES = 64


def setup_inputs(seed: int = 0) -> dict:
    key = jax.random.key(seed)
    kx, kc = jax.random.split(key)
    x = jax.random.normal(kx, (BATCH, IN_FEATURES), dtype=jnp.float32)
    # 'columns' stands in for the top-k correlated column indices the torch
    # module computes from the dataframe at __init__ time. It is a fixed
    # integer index set (a buffer, not a trainable parameter).
    columns = jax.random.randint(kc, (OUT_FEATURES,), 0, IN_FEATURES, dtype=jnp.int32)
    return {"x": x, "columns": columns}


def reference(x, columns):
    # torch: reduced_x = x[:, self.columns].squeeze()
    reduced = jnp.take(x, columns, axis=1)
    return jnp.squeeze(reduced)

if __name__ == "__main__":
    import jax
    _d = setup_inputs()
    print(jax.jit(kernel)(*tuple(_d.values())))

</pallas_src>

<mosaic_0001>
#map = affine_map<(d0, d1) -> (0)>
module attributes {stable_mosaic.version = 14 : i64} {
  func.func @_body(%arg0: i32, %arg1: i32, %arg2: memref<8388608xf32, #tpu.memory_space<hbm>>, %arg3: memref<64xi32, #tpu.memory_space<hbm>>, %arg4: memref<1048576xf32, #tpu.memory_space<hbm>>, %arg5: memref<64xi32, #tpu.memory_space<vmem>>, %arg6: memref<32768xf32, #tpu.memory_space<vmem>>, %arg7: memref<4096xf32, #tpu.memory_space<vmem>>) attributes {dimension_semantics = [#tpu.dimension_semantics<core_parallel>, #tpu.dimension_semantics<subcore_parallel>], iteration_bounds = array<i64: 2, 16>, scalar_prefetch = 0 : i64, scratch_operands = 3 : i64, tpu.core_type = #tpu.core_type<sc_vector_subcore>, window_params = [{transform_indices = #map}, {transform_indices = #map}, {transform_indices = #map}]} {
    %mul3A = arith.constant 2 : i32
    %mul3A_0 = arith.muli %arg1, %mul3A : i32
    %add3A = arith.addi %mul3A_0, %arg0 : i32
    "tpu.region"() ({
      %run_scoped3A = tpu.sem_alloc : memref<!tpu.dma_semaphore, #tpu.memory_space<semaphore_mem>>
      tpu.enqueue_dma source(%arg3 : memref<64xi32, #tpu.memory_space<hbm>>) target(%arg5 : memref<64xi32, #tpu.memory_space<vmem>>) target_semaphore(%run_scoped3A : memref<!tpu.dma_semaphore, #tpu.memory_space<semaphore_mem>>)
      tpu.wait_dma2 semaphore(%run_scoped3A : memref<!tpu.dma_semaphore, #tpu.memory_space<semaphore_mem>>) src(%arg3 : memref<64xi32, #tpu.memory_space<hbm>>) dst(%arg5 : memref<64xi32, #tpu.memory_space<vmem>>)
      tpu.yield
    }) : () -> ()
    %get3A = arith.constant 0 : index
    %get3A_1 = tpu.vector_load %arg5[%get3A] {strides = array<i32>} : memref<64xi32, #tpu.memory_space<vmem>>, vector<16xi32>,
    %get3A_2 = arith.constant 16 : index
    %get3A_3 = tpu.vector_load %arg5[%get3A_2] {strides = array<i32>} : memref<64xi32, #tpu.memory_space<vmem>>, vector<16xi32>,
    %get3A_4 = arith.constant 32 : index
    %get3A_5 = tpu.vector_load %arg5[%get3A_4] {strides = array<i32>} : memref<64xi32, #tpu.memory_space<vmem>>, vector<16xi32>,
    %get3A_6 = arith.constant 48 : index
    %get3A_7 = tpu.vector_load %arg5[%get3A_6] {strides = array<i32>} : memref<64xi32, #tpu.memory_space<vmem>>, vector<16xi32>,
    %mul3A_8 = arith.constant 512 : i32
    %mul3A_9 = arith.muli %add3A, %mul3A_8 : i32
    %add3A_10 = arith.constant 0 : i32
    %add3A_11 = arith.addi %mul3A_9, %add3A_10 : i32
    %mul3A_12 = arith.constant 512 : i32
    %mul3A_13 = arith.muli %add3A_11, %mul3A_12 : i32
    "tpu.region"() ({
      %run_scoped3A = tpu.sem_alloc : memref<!tpu.dma_semaphore, #tpu.memory_space<semaphore_mem>>
      %dma_start3A = tpu.memref_slice %arg2[%mul3A_13] : memref<8388608xf32, #tpu.memory_space<hbm>> -> memref<32768xf32, #tpu.memory_space<hbm>>
      %dma_start3A_105 = tpu.memref_slice %arg2[%mul3A_13] : memref<8388608xf32, #tpu.memory_space<hbm>> -> memref<32768xf32, #tpu.memory_space<hbm>>
      tpu.enqueue_dma source(%dma_start3A_105 : memref<32768xf32, #tpu.memory_space<hbm>>) target(%arg6 : memref<32768xf32, #tpu.memory_space<vmem>>) target_semaphore(%run_scoped3A : memref<!tpu.dma_semaphore, #tpu.memory_space<semaphore_mem>>)
      %dma_wait3A = tpu.memref_slice %arg2[%mul3A_13] : memref<8388608xf32, #tpu.memory_space<hbm>> -> memref<32768xf32, #tpu.memory_space<hbm>>
      %dma_wait3A_106 = tpu.memref_slice %arg2[%mul3A_13] : memref<8388608xf32, #tpu.memory_space<hbm>> -> memref<32768xf32, #tpu.memory_space<hbm>>
      tpu.wait_dma2 semaphore(%run_scoped3A : memref<!tpu.dma_semaphore, #tpu.memory_space<semaphore_mem>>) src(%dma_wait3A_106 : memref<32768xf32, #tpu.memory_space<hbm>>) dst(%arg6 : memref<32768xf32, #tpu.memory_space<vmem>>)
      tpu.yield
    }) : () -> ()
    %scan3A = arith.constant 0 : i32
    %scan3A_14 = arith.constant 0 : i32
    %scan3A_15 = arith.constant 64 : i32
    %scan3A_16 = arith.addi %scan3A_14, %scan3A_15 : i32
    %scan3A_17 = arith.constant 1 : i32
    scf.for %scan3A_105 = %scan3A_14 to %scan3A_16 step %scan3A_17  : i32 {
      %mul3A_106 = arith.constant 512 : i32
      %mul3A_107 = arith.muli %scan3A_105, %mul3A_106 : i32
      %mul3A_108 = arith.constant 64 : i32
      %mul3A_109 = arith.muli %scan3A_105, %mul3A_108 : i32
      %add3A_110 = vector.broadcast %mul3A_107 : i32 to vector<16xi32>
      %add3A_111 = arith.addi %get3A_1, %add3A_110 : vector<16xi32>
      %gather3A = tpu.vector_load_idx %arg6[%add3A_111] : memref<32768xf32, #tpu.memory_space<vmem>>[vector<16xi32>], vector<16xf32>,
      %add3A_112 = arith.constant 0 : i32
      %add3A_113 = arith.addi %mul3A_109, %add3A_112 : i32
      %swap3A = arith.index_cast %add3A_113 : i32 to index
      %swap3A_114 = tpu.vector_load %arg7[%swap3A] {strides = array<i32>} : memref<4096xf32, #tpu.memory_space<vmem>>, vector<16xf32>,
      tpu.vector_store %arg7[%swap3A], %gather3A {strides = array<i32>} : memref<4096xf32, #tpu.memory_space<vmem>>, vector<16xf32>,
      %add3A_115 = vector.broadcast %mul3A_107 : i32 to vector<16xi32>
      %add3A_116 = arith.addi %get3A_3, %add3A_115 : vector<16xi32>
      %gather3A_117 = tpu.vector_load_idx %arg6[%add3A_116] : memref<32768xf32, #tpu.memory_space<vmem>>[vector<16xi32>], vector<16xf32>,
      %add3A_118 = arith.constant 16 : i32
      %add3A_119 = arith.addi %mul3A_109, %add3A_118 : i32
      %swap3A_120 = arith.index_cast %add3A_119 : i32 to index
      %swap3A_121 = tpu.vector_load %arg7[%swap3A_120] {strides = array<i32>} : memref<4096xf32, #tpu.memory_space<vmem>>, vector<16xf32>,
      tpu.vector_store %arg7[%swap3A_120], %gather3A_117 {strides = array<i32>} : memref<4096xf32, #tpu.memory_space<vmem>>, vector<16xf32>,
      %add3A_122 = vector.broadcast %mul3A_107 : i32 to vector<16xi32>
      %add3A_123 = arith.addi %get3A_5, %add3A_122 : vector<16xi32>
      %gather3A_124 = tpu.vector_load_idx %arg6[%add3A_123] : memref<32768xf32, #tpu.memory_space<vmem>>[vector<16xi32>], vector<16xf32>,
      %add3A_125 = arith.constant 32 : i32
      %add3A_126 = arith.addi %mul3A_109, %add3A_125 : i32
      %swap3A_127 = arith.index_cast %add3A_126 : i32 to index
      %swap3A_128 = tpu.vector_load %arg7[%swap3A_127] {strides = array<i32>} : memref<4096xf32, #tpu.memory_space<vmem>>, vector<16xf32>,
      tpu.vector_store %arg7[%swap3A_127], %gather3A_124 {strides = array<i32>} : memref<4096xf32, #tpu.memory_space<vmem>>, vector<16xf32>,
      %add3A_129 = vector.broadcast %mul3A_107 : i32 to vector<16xi32>
      %add3A_130 = arith.addi %get3A_7, %add3A_129 : vector<16xi32>
      %gather3A_131 = tpu.vector_load_idx %arg6[%add3A_130] : memref<32768xf32, #tpu.memory_space<vmem>>[vector<16xi32>], vector<16xf32>,
      %add3A_132 = arith.constant 48 : i32
      %add3A_133 = arith.addi %mul3A_109, %add3A_132 : i32
      %swap3A_134 = arith.index_cast %add3A_133 : i32 to index
      %swap3A_135 = tpu.vector_load %arg7[%swap3A_134] {strides = array<i32>} : memref<4096xf32, #tpu.memory_space<vmem>>, vector<16xf32>,
      tpu.vector_store %arg7[%swap3A_134], %gather3A_131 {strides = array<i32>} : memref<4096xf32, #tpu.memory_space<vmem>>, vector<16xf32>,
    }
    %scan3A_18 = arith.constant 64 : i32
    %mul3A_19 = arith.constant 64 : i32
    %mul3A_20 = arith.muli %add3A_11, %mul3A_19 : i32
    "tpu.region"() ({
      %run_scoped3A = tpu.sem_alloc : memref<!tpu.dma_semaphore, #tpu.memory_space<semaphore_mem>>
      %dma_start3A = tpu.memref_slice %arg4[%mul3A_20] : memref<1048576xf32, #tpu.memory_space<hbm>> -> memref<4096xf32, #tpu.memory_space<hbm>>
      %dma_start3A_105 = tpu.memref_slice %arg4[%mul3A_20] : memref<1048576xf32, #tpu.memory_space<hbm>> -> memref<4096xf32, #tpu.memory_space<hbm>>
      tpu.enqueue_dma source(%arg7 : memref<4096xf32, #tpu.memory_space<vmem>>) target(%dma_start3A_105 : memref<4096xf32, #tpu.memory_space<hbm>>) target_semaphore(%run_scoped3A : memref<!tpu.dma_semaphore, #tpu.memory_space<semaphore_mem>>)
      %dma_wait3A = tpu.memref_slice %arg4[%mul3A_20] : memref<1048576xf32, #tpu.memory_space<hbm>> -> memref<4096xf32, #tpu.memory_space<hbm>>
      %dma_wait3A_106 = tpu.memref_slice %arg4[%mul3A_20] : memref<1048576xf32, #tpu.memory_space<hbm>> -> memref<4096xf32, #tpu.memory_space<hbm>>
      tpu.wait_dma2 semaphore(%run_scoped3A : memref<!tpu.dma_semaphore, #tpu.memory_space<semaphore_mem>>) src(%arg7 : memref<4096xf32, #tpu.memory_space<vmem>>) dst(%dma_wait3A_106 : memref<4096xf32, #tpu.memory_space<hbm>>)
      tpu.yield
    }) : () -> ()
    %add3A_21 = arith.constant 64 : i32
    %add3A_22 = arith.addi %mul3A_9, %add3A_21 : i32
    %mul3A_23 = arith.constant 512 : i32
    %mul3A_24 = arith.muli %add3A_22, %mul3A_23 : i32
    "tpu.region"() ({
      %run_scoped3A = tpu.sem_alloc : memref<!tpu.dma_semaphore, #tpu.memory_space<semaphore_mem>>
      %dma_start3A = tpu.memref_slice %arg2[%mul3A_24] : memref<8388608xf32, #tpu.memory_space<hbm>> -> memref<32768xf32, #tpu.memory_space<hbm>>
      %dma_start3A_105 = tpu.memref_slice %arg2[%mul3A_24] : memref<8388608xf32, #tpu.memory_space<hbm>> -> memref<32768xf32, #tpu.memory_space<hbm>>
      tpu.enqueue_dma source(%dma_start3A_105 : memref<32768xf32, #tpu.memory_space<hbm>>) target(%arg6 : memref<32768xf32, #tpu.memory_space<vmem>>) target_semaphore(%run_scoped3A : memref<!tpu.dma_semaphore, #tpu.memory_space<semaphore_mem>>)
      %dma_wait3A = tpu.memref_slice %arg2[%mul3A_24] : memref<8388608xf32, #tpu.memory_space<hbm>> -> memref<32768xf32, #tpu.memory_space<hbm>>
      %dma_wait3A_106 = tpu.memref_slice %arg2[%mul3A_24] : memref<8388608xf32, #tpu.memory_space<hbm>> -> memref<32768xf32, #tpu.memory_space<hbm>>
      tpu.wait_dma2 semaphore(%run_scoped3A : memref<!tpu.dma_semaphore, #tpu.memory_space<semaphore_mem>>) src(%dma_wait3A_106 : memref<32768xf32, #tpu.memory_space<hbm>>) dst(%arg6 : memref<32768xf32, #tpu.memory_space<vmem>>)
      tpu.yield
    }) : () -> ()
    %scan3A_25 = arith.constant 0 : i32
    %scan3A_26 = arith.constant 0 : i32
    %scan3A_27 = arith.constant 64 : i32
    %scan3A_28 = arith.addi %scan3A_26, %scan3A_27 : i32
    %scan3A_29 = arith.constant 1 : i32
    scf.for %scan3A_105 = %scan3A_26 to %scan3A_28 step %scan3A_29  : i32 {
      %mul3A_106 = arith.constant 512 : i32
      %mul3A_107 = arith.muli %scan3A_105, %mul3A_106 : i32
      %mul3A_108 = arith.constant 64 : i32
      %mul3A_109 = arith.muli %scan3A_105, %mul3A_108 : i32
      %add3A_110 = vector.broadcast %mul3A_107 : i32 to vector<16xi32>
      %add3A_111 = arith.addi %get3A_1, %add3A_110 : vector<16xi32>
      %gather3A = tpu.vector_load_idx %arg6[%add3A_111] : memref<32768xf32, #tpu.memory_space<vmem>>[vector<16xi32>], vector<16xf32>,
      %add3A_112 = arith.constant 0 : i32
      %add3A_113 = arith.addi %mul3A_109, %add3A_112 : i32
      %swap3A = arith.index_cast %add3A_113 : i32 to index
      %swap3A_114 = tpu.vector_load %arg7[%swap3A] {strides = array<i32>} : memref<4096xf32, #tpu.memory_space<vmem>>, vector<16xf32>,
      tpu.vector_store %arg7[%swap3A], %gather3A {strides = array<i32>} : memref<4096xf32, #tpu.memory_space<vmem>>, vector<16xf32>,
      %add3A_115 = vector.broadcast %mul3A_107 : i32 to vector<16xi32>
      %add3A_116 = arith.addi %get3A_3, %add3A_115 : vector<16xi32>
      %gather3A_117 = tpu.vector_load_idx %arg6[%add3A_116] : memref<32768xf32, #tpu.memory_space<vmem>>[vector<16xi32>], vector<16xf32>,
      %add3A_118 = arith.constant 16 : i32
      %add3A_119 = arith.addi %mul3A_109, %add3A_118 : i32
      %swap3A_120 = arith.index_cast %add3A_119 : i32 to index
      %swap3A_121 = tpu.vector_load %arg7[%swap3A_120] {strides = array<i32>} : memref<4096xf32, #tpu.memory_space<vmem>>, vector<16xf32>,
      tpu.vector_store %arg7[%swap3A_120], %gather3A_117 {strides = array<i32>} : memref<4096xf32, #tpu.memory_space<vmem>>, vector<16xf32>,
      %add3A_122 = vector.broadcast %mul3A_107 : i32 to vector<16xi32>
      %add3A_123 = arith.addi %get3A_5, %add3A_122 : vector<16xi32>
      %gather3A_124 = tpu.vector_load_idx %arg6[%add3A_123] : memref<32768xf32, #tpu.memory_space<vmem>>[vector<16xi32>], vector<16xf32>,
      %add3A_125 = arith.constant 32 : i32
      %add3A_126 = arith.addi %mul3A_109, %add3A_125 : i32
      %swap3A_127 = arith.index_cast %add3A_126 : i32 to index
      %swap3A_128 = tpu.vector_load %arg7[%swap3A_127] {strides = array<i32>} : memref<4096xf32, #tpu.memory_space<vmem>>, vector<16xf32>,
      tpu.vector_store %arg7[%swap3A_127], %gather3A_124 {strides = array<i32>} : memref<4096xf32, #tpu.memory_space<vmem>>, vector<16xf32>,
      %add3A_129 = vector.broadcast %mul3A_107 : i32 to vector<16xi32>
      %add3A_130 = arith.addi %get3A_7, %add3A_129 : vector<16xi32>
      %gather3A_131 = tpu.vector_load_idx %arg6[%add3A_130] : memref<32768xf32, #tpu.memory_space<vmem>>[vector<16xi32>], vector<16xf32>,
      %add3A_132 = arith.constant 48 : i32
      %add3A_133 = arith.addi %mul3A_109, %add3A_132 : i32
      %swap3A_134 = arith.index_cast %add3A_133 : i32 to index
      %swap3A_135 = tpu.vector_load %arg7[%swap3A_134] {strides = array<i32>} : memref<4096xf32, #tpu.memory_space<vmem>>, vector<16xf32>,
      tpu.vector_store %arg7[%swap3A_134], %gather3A_131 {strides = array<i32>} : memref<4096xf32, #tpu.memory_space<vmem>>, vector<16xf32>,
    }
    %scan3A_30 = arith.constant 64 : i32
    %mul3A_31 = arith.constant 64 : i32
    %mul3A_32 = arith.muli %add3A_22, %mul3A_31 : i32
    "tpu.region"() ({
      %run_scoped3A = tpu.sem_alloc : memref<!tpu.dma_semaphore, #tpu.memory_space<semaphore_mem>>
      %dma_start3A = tpu.memref_slice %arg4[%mul3A_32] : memref<1048576xf32, #tpu.memory_space<hbm>> -> memref<4096xf32, #tpu.memory_space<hbm>>
      %dma_start3A_105 = tpu.memref_slice %arg4[%mul3A_32] : memref<1048576xf32, #tpu.memory_space<hbm>> -> memref<4096xf32, #tpu.memory_space<hbm>>
      tpu.enqueue_dma source(%arg7 : memref<4096xf32, #tpu.memory_space<vmem>>) target(%dma_start3A_105 : memref<4096xf32, #tpu.memory_space<hbm>>) target_semaphore(%run_scoped3A : memref<!tpu.dma_semaphore, #tpu.memory_space<semaphore_mem>>)
      %dma_wait3A = tpu.memref_slice %arg4[%mul3A_32] : memref<1048576xf32, #tpu.memory_space<hbm>> -> memref<4096xf32, #tpu.memory_space<hbm>>
      %dma_wait3A_106 = tpu.memref_slice %arg4[%mul3A_32] : memref<1048576xf32, #tpu.memory_space<hbm>> -> memref<4096xf32, #tpu.memory_space<hbm>>
      tpu.wait_dma2 semaphore(%run_scoped3A : memref<!tpu.dma_semaphore, #tpu.memory_space<semaphore_mem>>) src(%arg7 : memref<4096xf32, #tpu.memory_space<vmem>>) dst(%dma_wait3A_106 : memref<4096xf32, #tpu.memory_space<hbm>>)
      tpu.yield
    }) : () -> ()
    %add3A_33 = arith.constant 128 : i32
    %add3A_34 = arith.addi %mul3A_9, %add3A_33 : i32
    %mul3A_35 = arith.constant 512 : i32
    %mul3A_36 = arith.muli %add3A_34, %mul3A_35 : i32
    "tpu.region"() ({
      %run_scoped3A = tpu.sem_alloc : memref<!tpu.dma_semaphore, #tpu.memory_space<semaphore_mem>>
      %dma_start3A = tpu.memref_slice %arg2[%mul3A_36] : memref<8388608xf32, #tpu.memory_space<hbm>> -> memref<32768xf32, #tpu.memory_space<hbm>>
      %dma_start3A_105 = tpu.memref_slice %arg2[%mul3A_36] : memref<8388608xf32, #tpu.memory_space<hbm>> -> memref<32768xf32, #tpu.memory_space<hbm>>
      tpu.enqueue_dma source(%dma_start3A_105 : memref<32768xf32, #tpu.memory_space<hbm>>) target(%arg6 : memref<32768xf32, #tpu.memory_space<vmem>>) target_semaphore(%run_scoped3A : memref<!tpu.dma_semaphore, #tpu.memory_space<semaphore_mem>>)
      %dma_wait3A = tpu.memref_slice %arg2[%mul3A_36] : memref<8388608xf32, #tpu.memory_space<hbm>> -> memref<32768xf32, #tpu.memory_space<hbm>>
      %dma_wait3A_106 = tpu.memref_slice %arg2[%mul3A_36] : memref<8388608xf32, #tpu.memory_space<hbm>> -> memref<32768xf32, #tpu.memory_space<hbm>>
      tpu.wait_dma2 semaphore(%run_scoped3A : memref<!tpu.dma_semaphore, #tpu.memory_space<semaphore_mem>>) src(%dma_wait3A_106 : memref<32768xf32, #tpu.memory_space<hbm>>) dst(%arg6 : memref<32768xf32, #tpu.memory_space<vmem>>)
      tpu.yield
    }) : () -> ()
    %scan3A_37 = arith.constant 0 : i32
    %scan3A_38 = arith.constant 0 : i32
    %scan3A_39 = arith.constant 64 : i32
    %scan3A_40 = arith.addi %scan3A_38, %scan3A_39 : i32
    %scan3A_41 = arith.constant 1 : i32
    scf.for %scan3A_105 = %scan3A_38 to %scan3A_40 step %scan3A_41  : i32 {
      %mul3A_106 = arith.constant 512 : i32
      %mul3A_107 = arith.muli %scan3A_105, %mul3A_106 : i32
      %mul3A_108 = arith.constant 64 : i32
      %mul3A_109 = arith.muli %scan3A_105, %mul3A_108 : i32
      %add3A_110 = vector.broadcast %mul3A_107 : i32 to vector<16xi32>
      %add3A_111 = arith.addi %get3A_1, %add3A_110 : vector<16xi32>
      %gather3A = tpu.vector_load_idx %arg6[%add3A_111] : memref<32768xf32, #tpu.memory_space<vmem>>[vector<16xi32>], vector<16xf32>,
      %add3A_112 = arith.constant 0 : i32
      %add3A_113 = arith.addi %mul3A_109, %add3A_112 : i32
      %swap3A = arith.index_cast %add3A_113 : i32 to index
      %swap3A_114 = tpu.vector_load %arg7[%swap3A] {strides = array<i32>} : memref<4096xf32, #tpu.memory_space<vmem>>, vector<16xf32>,
      tpu.vector_store %arg7[%swap3A], %gather3A {strides = array<i32>} : memref<4096xf32, #tpu.memory_space<vmem>>, vector<16xf32>,
      %add3A_115 = vector.broadcast %mul3A_107 : i32 to vector<16xi32>
      %add3A_116 = arith.addi %get3A_3, %add3A_115 : vector<16xi32>
      %gather3A_117 = tpu.vector_load_idx %arg6[%add3A_116] : memref<32768xf32, #tpu.memory_space<vmem>>[vector<16xi32>], vector<16xf32>,
      %add3A_118 = arith.constant 16 : i32
      %add3A_119 = arith.addi %mul3A_109, %add3A_118 : i32
      %swap3A_120 = arith.index_cast %add3A_119 : i32 to index
      %swap3A_121 = tpu.vector_load %arg7[%swap3A_120] {strides = array<i32>} : memref<4096xf32, #tpu.memory_space<vmem>>, vector<16xf32>,
      tpu.vector_store %arg7[%swap3A_120], %gather3A_117 {strides = array<i32>} : memref<4096xf32, #tpu.memory_space<vmem>>, vector<16xf32>,
      %add3A_122 = vector.broadcast %mul3A_107 : i32 to vector<16xi32>
      %add3A_123 = arith.addi %get3A_5, %add3A_122 : vector<16xi32>
      %gather3A_124 = tpu.vector_load_idx %arg6[%add3A_123] : memref<32768xf32, #tpu.memory_space<vmem>>[vector<16xi32>], vector<16xf32>,
      %add3A_125 = arith.constant 32 : i32
      %add3A_126 = arith.addi %mul3A_109, %add3A_125 : i32
      %swap3A_127 = arith.index_cast %add3A_126 : i32 to index
      %swap3A_128 = tpu.vector_load %arg7[%swap3A_127] {strides = array<i32>} : memref<4096xf32, #tpu.memory_space<vmem>>, vector<16xf32>,
      tpu.vector_store %arg7[%swap3A_127], %gather3A_124 {strides = array<i32>} : memref<4096xf32, #tpu.memory_space<vmem>>, vector<16xf32>,
      %add3A_129 = vector.broadcast %mul3A_107 : i32 to vector<16xi32>
      %add3A_130 = arith.addi %get3A_7, %add3A_129 : vector<16xi32>
      %gather3A_131 = tpu.vector_load_idx %arg6[%add3A_130] : memref<32768xf32, #tpu.memory_space<vmem>>[vector<16xi32>], vector<16xf32>,
      %add3A_132 = arith.constant 48 : i32
      %add3A_133 = arith.addi %mul3A_109, %add3A_132 : i32
      %swap3A_134 = arith.index_cast %add3A_133 : i32 to index
      %swap3A_135 = tpu.vector_load %arg7[%swap3A_134] {strides = array<i32>} : memref<4096xf32, #tpu.memory_space<vmem>>, vector<16xf32>,
      tpu.vector_store %arg7[%swap3A_134], %gather3A_131 {strides = array<i32>} : memref<4096xf32, #tpu.memory_space<vmem>>, vector<16xf32>,
    }
    %scan3A_42 = arith.constant 64 : i32
    %mul3A_43 = arith.constant 64 : i32
    %mul3A_44 = arith.muli %add3A_34, %mul3A_43 : i32
    "tpu.region"() ({
      %run_scoped3A = tpu.sem_alloc : memref<!tpu.dma_semaphore, #tpu.memory_space<semaphore_mem>>
      %dma_start3A = tpu.memref_slice %arg4[%mul3A_44] : memref<1048576xf32, #tpu.memory_space<hbm>> -> memref<4096xf32, #tpu.memory_space<hbm>>
      %dma_start3A_105 = tpu.memref_slice %arg4[%mul3A_44] : memref<1048576xf32, #tpu.memory_space<hbm>> -> memref<4096xf32, #tpu.memory_space<hbm>>
      tpu.enqueue_dma source(%arg7 : memref<4096xf32, #tpu.memory_space<vmem>>) target(%dma_start3A_105 : memref<4096xf32, #tpu.memory_space<hbm>>) target_semaphore(%run_scoped3A : memref<!tpu.dma_semaphore, #tpu.memory_space<semaphore_mem>>)
      %dma_wait3A = tpu.memref_slice %arg4[%mul3A_44] : memref<1048576xf32, #tpu.memory_space<hbm>> -> memref<4096xf32, #tpu.memory_space<hbm>>
      %dma_wait3A_106 = tpu.memref_slice %arg4[%mul3A_44] : memref<1048576xf32, #tpu.memory_space<hbm>> -> memref<4096xf32, #tpu.memory_space<hbm>>
      tpu.wait_dma2 semaphore(%run_scoped3A : memref<!tpu.dma_semaphore, #tpu.memory_space<semaphore_mem>>) src(%arg7 : memref<4096xf32, #tpu.memory_space<vmem>>) dst(%dma_wait3A_106 : memref<4096xf32, #tpu.memory_space<hbm>>)
      tpu.yield
    }) : () -> ()
    %add3A_45 = arith.constant 192 : i32
    %add3A_46 = arith.addi %mul3A_9, %add3A_45 : i32
    %mul3A_47 = arith.constant 512 : i32
    %mul3A_48 = arith.muli %add3A_46, %mul3A_47 : i32
    "tpu.region"() ({
      %run_scoped3A = tpu.sem_alloc : memref<!tpu.dma_semaphore, #tpu.memory_space<semaphore_mem>>
      %dma_start3A = tpu.memref_slice %arg2[%mul3A_48] : memref<8388608xf32, #tpu.memory_space<hbm>> -> memref<32768xf32, #tpu.memory_space<hbm>>
      %dma_start3A_105 = tpu.memref_slice %arg2[%mul3A_48] : memref<8388608xf32, #tpu.memory_space<hbm>> -> memref<32768xf32, #tpu.memory_space<hbm>>
      tpu.enqueue_dma source(%dma_start3A_105 : memref<32768xf32, #tpu.memory_space<hbm>>) target(%arg6 : memref<32768xf32, #tpu.memory_space<vmem>>) target_semaphore(%run_scoped3A : memref<!tpu.dma_semaphore, #tpu.memory_space<semaphore_mem>>)
      %dma_wait3A = tpu.memref_slice %arg2[%mul3A_48] : memref<8388608xf32, #tpu.memory_space<hbm>> -> memref<32768xf32, #tpu.memory_space<hbm>>
      %dma_wait3A_106 = tpu.memref_slice %arg2[%mul3A_48] : memref<8388608xf32, #tpu.memory_space<hbm>> -> memref<32768xf32, #tpu.memory_space<hbm>>
      tpu.wait_dma2 semaphore(%run_scoped3A : memref<!tpu.dma_semaphore, #tpu.memory_space<semaphore_mem>>) src(%dma_wait3A_106 : memref<32768xf32, #tpu.memory_space<hbm>>) dst(%arg6 : memref<32768xf32, #tpu.memory_space<vmem>>)
      tpu.yield
    }) : () -> ()
    %scan3A_49 = arith.constant 0 : i32
    %scan3A_50 = arith.constant 0 : i32
    %scan3A_51 = arith.constant 64 : i32
    %scan3A_52 = arith.addi %scan3A_50, %scan3A_51 : i32
    %scan3A_53 = arith.constant 1 : i32
    scf.for %scan3A_105 = %scan3A_50 to %scan3A_52 step %scan3A_53  : i32 {
      %mul3A_106 = arith.constant 512 : i32
      %mul3A_107 = arith.muli %scan3A_105, %mul3A_106 : i32
      %mul3A_108 = arith.constant 64 : i32
      %mul3A_109 = arith.muli %scan3A_105, %mul3A_108 : i32
      %add3A_110 = vector.broadcast %mul3A_107 : i32 to vector<16xi32>
      %add3A_111 = arith.addi %get3A_1, %add3A_110 : vector<16xi32>
      %gather3A = tpu.vector_load_idx %arg6[%add3A_111] : memref<32768xf32, #tpu.memory_space<vmem>>[vector<16xi32>], vector<16xf32>,
      %add3A_112 = arith.constant 0 : i32
      %add3A_113 = arith.addi %mul3A_109, %add3A_112 : i32
      %swap3A = arith.index_cast %add3A_113 : i32 to index
      %swap3A_114 = tpu.vector_load %arg7[%swap3A] {strides = array<i32>} : memref<4096xf32, #tpu.memory_space<vmem>>, vector<16xf32>,
      tpu.vector_store %arg7[%swap3A], %gather3A {strides = array<i32>} : memref<4096xf32, #tpu.memory_space<vmem>>, vector<16xf32>,
      %add3A_115 = vector.broadcast %mul3A_107 : i32 to vector<16xi32>
      %add3A_116 = arith.addi %get3A_3, %add3A_115 : vector<16xi32>
      %gather3A_117 = tpu.vector_load_idx %arg6[%add3A_116] : memref<32768xf32, #tpu.memory_space<vmem>>[vector<16xi32>], vector<16xf32>,
      %add3A_118 = arith.constant 16 : i32
      %add3A_119 = arith.addi %mul3A_109, %add3A_118 : i32
      %swap3A_120 = arith.index_cast %add3A_119 : i32 to index
      %swap3A_121 = tpu.vector_load %arg7[%swap3A_120] {strides = array<i32>} : memref<4096xf32, #tpu.memory_space<vmem>>, vector<16xf32>,
      tpu.vector_store %arg7[%swap3A_120], %gather3A_117 {strides = array<i32>} : memref<4096xf32, #tpu.memory_space<vmem>>, vector<16xf32>,
      %add3A_122 = vector.broadcast %mul3A_107 : i32 to vector<16xi32>
      %add3A_123 = arith.addi %get3A_5, %add3A_122 : vector<16xi32>
      %gather3A_124 = tpu.vector_load_idx %arg6[%add3A_123] : memref<32768xf32, #tpu.memory_space<vmem>>[vector<16xi32>], vector<16xf32>,
      %add3A_125 = arith.constant 32 : i32
      %add3A_126 = arith.addi %mul3A_109, %add3A_125 : i32
      %swap3A_127 = arith.index_cast %add3A_126 : i32 to index
      %swap3A_128 = tpu.vector_load %arg7[%swap3A_127] {strides = array<i32>} : memref<4096xf32, #tpu.memory_space<vmem>>, vector<16xf32>,
      tpu.vector_store %arg7[%swap3A_127], %gather3A_124 {strides = array<i32>} : memref<4096xf32, #tpu.memory_space<vmem>>, vector<16xf32>,
      %add3A_129 = vector.broadcast %mul3A_107 : i32 to vector<16xi32>
      %add3A_130 = arith.addi %get3A_7, %add3A_129 : vector<16xi32>
      %gather3A_131 = tpu.vector_load_idx %arg6[%add3A_130] : memref<32768xf32, #tpu.memory_space<vmem>>[vector<16xi32>], vector<16xf32>,
      %add3A_132 = arith.constant 48 : i32
      %add3A_133 = arith.addi %mul3A_109, %add3A_132 : i32
      %swap3A_134 = arith.index_cast %add3A_133 : i32 to index
      %swap3A_135 = tpu.vector_load %arg7[%swap3A_134] {strides = array<i32>} : memref<4096xf32, #tpu.memory_space<vmem>>, vector<16xf32>,
      tpu.vector_store %arg7[%swap3A_134], %gather3A_131 {strides = array<i32>} : memref<4096xf32, #tpu.memory_space<vmem>>, vector<16xf32>,
    }
    %scan3A_54 = arith.constant 64 : i32
    %mul3A_55 = arith.constant 64 : i32
    %mul3A_56 = arith.muli %add3A_46, %mul3A_55 : i32
    "tpu.region"() ({
      %run_scoped3A = tpu.sem_alloc : memref<!tpu.dma_semaphore, #tpu.memory_space<semaphore_mem>>
      %dma_start3A = tpu.memref_slice %arg4[%mul3A_56] : memref<1048576xf32, #tpu.memory_space<hbm>> -> memref<4096xf32, #tpu.memory_space<hbm>>
      %dma_start3A_105 = tpu.memref_slice %arg4[%mul3A_56] : memref<1048576xf32, #tpu.memory_space<hbm>> -> memref<4096xf32, #tpu.memory_space<hbm>>
      tpu.enqueue_dma source(%arg7 : memref<4096xf32, #tpu.memory_space<vmem>>) target(%dma_start3A_105 : memref<4096xf32, #tpu.memory_space<hbm>>) target_semaphore(%run_scoped3A : memref<!tpu.dma_semaphore, #tpu.memory_space<semaphore_mem>>)
      %dma_wait3A = tpu.memref_slice %arg4[%mul3A_56] : memref<1048576xf32, #tpu.memory_space<hbm>> -> memref<4096xf32, #tpu.memory_space<hbm>>
      %dma_wait3A_106 = tpu.memref_slice %arg4[%mul3A_56] : memref<1048576xf32, #tpu.memory_space<hbm>> -> memref<4096xf32, #tpu.memory_space<hbm>>
      tpu.wait_dma2 semaphore(%run_scoped3A : memref<!tpu.dma_semaphore, #tpu.memory_space<semaphore_mem>>) src(%arg7 : memref<4096xf32, #tpu.memory_space<vmem>>) dst(%dma_wait3A_106 : memref<4096xf32, #tpu.memory_space<hbm>>)
      tpu.yield
    }) : () -> ()
    %add3A_57 = arith.constant 256 : i32
    %add3A_58 = arith.addi %mul3A_9, %add3A_57 : i32
    %mul3A_59 = arith.constant 512 : i32
    %mul3A_60 = arith.muli %add3A_58, %mul3A_59 : i32
    "tpu.region"() ({
      %run_scoped3A = tpu.sem_alloc : memref<!tpu.dma_semaphore, #tpu.memory_space<semaphore_mem>>
      %dma_start3A = tpu.memref_slice %arg2[%mul3A_60] : memref<8388608xf32, #tpu.memory_space<hbm>> -> memref<32768xf32, #tpu.memory_space<hbm>>
      %dma_start3A_105 = tpu.memref_slice %arg2[%mul3A_60] : memref<8388608xf32, #tpu.memory_space<hbm>> -> memref<32768xf32, #tpu.memory_space<hbm>>
      tpu.enqueue_dma source(%dma_start3A_105 : memref<32768xf32, #tpu.memory_space<hbm>>) target(%arg6 : memref<32768xf32, #tpu.memory_space<vmem>>) target_semaphore(%run_scoped3A : memref<!tpu.dma_semaphore, #tpu.memory_space<semaphore_mem>>)
      %dma_wait3A = tpu.memref_slice %arg2[%mul3A_60] : memref<8388608xf32, #tpu.memory_space<hbm>> -> memref<32768xf32, #tpu.memory_space<hbm>>
      %dma_wait3A_106 = tpu.memref_slice %arg2[%mul3A_60] : memref<8388608xf32, #tpu.memory_space<hbm>> -> memref<32768xf32, #tpu.memory_space<hbm>>
      tpu.wait_dma2 semaphore(%run_scoped3A : memref<!tpu.dma_semaphore, #tpu.memory_space<semaphore_mem>>) src(%dma_wait3A_106 : memref<32768xf32, #tpu.memory_space<hbm>>) dst(%arg6 : memref<32768xf32, #tpu.memory_space<vmem>>)
      tpu.yield
    }) : () -> ()
    %scan3A_61 = arith.constant 0 : i32
    %scan3A_62 = arith.constant 0 : i32
    %scan3A_63 = arith.constant 64 : i32
    %scan3A_64 = arith.addi %scan3A_62, %scan3A_63 : i32
    %scan3A_65 = arith.constant 1 : i32
    scf.for %scan3A_105 = %scan3A_62 to %scan3A_64 step %scan3A_65  : i32 {
      %mul3A_106 = arith.constant 512 : i32
      %mul3A_107 = arith.muli %scan3A_105, %mul3A_106 : i32
      %mul3A_108 = arith.constant 64 : i32
      %mul3A_109 = arith.muli %scan3A_105, %mul3A_108 : i32
      %add3A_110 = vector.broadcast %mul3A_107 : i32 to vector<16xi32>
      %add3A_111 = arith.addi %get3A_1, %add3A_110 : vector<16xi32>
      %gather3A = tpu.vector_load_idx %arg6[%add3A_111] : memref<32768xf32, #tpu.memory_space<vmem>>[vector<16xi32>], vector<16xf32>,
      %add3A_112 = arith.constant 0 : i32
      %add3A_113 = arith.addi %mul3A_109, %add3A_112 : i32
      %swap3A = arith.index_cast %add3A_113 : i32 to index
      %swap3A_114 = tpu.vector_load %arg7[%swap3A] {strides = array<i32>} : memref<4096xf32, #tpu.memory_space<vmem>>, vector<16xf32>,
      tpu.vector_store %arg7[%swap3A], %gather3A {strides = array<i32>} : memref<4096xf32, #tpu.memory_space<vmem>>, vector<16xf32>,
      %add3A_115 = vector.broadcast %mul3A_107 : i32 to vector<16xi32>
      %add3A_116 = arith.addi %get3A_3, %add3A_115 : vector<16xi32>
      %gather3A_117 = tpu.vector_load_idx %arg6[%add3A_116] : memref<32768xf32, #tpu.memory_space<vmem>>[vector<16xi32>], vector<16xf32>,
      %add3A_118 = arith.constant 16 : i32
      %add3A_119 = arith.addi %mul3A_109, %add3A_118 : i32
      %swap3A_120 = arith.index_cast %add3A_119 : i32 to index
      %swap3A_121 = tpu.vector_load %arg7[%swap3A_120] {strides = array<i32>} : memref<4096xf32, #tpu.memory_space<vmem>>, vector<16xf32>,
      tpu.vector_store %arg7[%swap3A_120], %gather3A_117 {strides = array<i32>} : memref<4096xf32, #tpu.memory_space<vmem>>, vector<16xf32>,
      %add3A_122 = vector.broadcast %mul3A_107 : i32 to vector<16xi32>
      %add3A_123 = arith.addi %get3A_5, %add3A_122 : vector<16xi32>
      %gather3A_124 = tpu.vector_load_idx %arg6[%add3A_123] : memref<32768xf32, #tpu.memory_space<vmem>>[vector<16xi32>], vector<16xf32>,
      %add3A_125 = arith.constant 32 : i32
      %add3A_126 = arith.addi %mul3A_109, %add3A_125 : i32
      %swap3A_127 = arith.index_cast %add3A_126 : i32 to index
      %swap3A_128 = tpu.vector_load %arg7[%swap3A_127] {strides = array<i32>} : memref<4096xf32, #tpu.memory_space<vmem>>, vector<16xf32>,
      tpu.vector_store %arg7[%swap3A_127], %gather3A_124 {strides = array<i32>} : memref<4096xf32, #tpu.memory_space<vmem>>, vector<16xf32>,
      %add3A_129 = vector.broadcast %mul3A_107 : i32 to vector<16xi32>
      %add3A_130 = arith.addi %get3A_7, %add3A_129 : vector<16xi32>
      %gather3A_131 = tpu.vector_load_idx %arg6[%add3A_130] : memref<32768xf32, #tpu.memory_space<vmem>>[vector<16xi32>], vector<16xf32>,
      %add3A_132 = arith.constant 48 : i32
      %add3A_133 = arith.addi %mul3A_109, %add3A_132 : i32
      %swap3A_134 = arith.index_cast %add3A_133 : i32 to index
      %swap3A_135 = tpu.vector_load %arg7[%swap3A_134] {strides = array<i32>} : memref<4096xf32, #tpu.memory_space<vmem>>, vector<16xf32>,
      tpu.vector_store %arg7[%swap3A_134], %gather3A_131 {strides = array<i32>} : memref<4096xf32, #tpu.memory_space<vmem>>, vector<16xf32>,
    }
    %scan3A_66 = arith.constant 64 : i32
    %mul3A_67 = arith.constant 64 : i32
    %mul3A_68 = arith.muli %add3A_58, %mul3A_67 : i32
    "tpu.region"() ({
      %run_scoped3A = tpu.sem_alloc : memref<!tpu.dma_semaphore, #tpu.memory_space<semaphore_mem>>
      %dma_start3A = tpu.memref_slice %arg4[%mul3A_68] : memref<1048576xf32, #tpu.memory_space<hbm>> -> memref<4096xf32, #tpu.memory_space<hbm>>
      %dma_start3A_105 = tpu.memref_slice %arg4[%mul3A_68] : memref<1048576xf32, #tpu.memory_space<hbm>> -> memref<4096xf32, #tpu.memory_space<hbm>>
      tpu.enqueue_dma source(%arg7 : memref<4096xf32, #tpu.memory_space<vmem>>) target(%dma_start3A_105 : memref<4096xf32, #tpu.memory_space<hbm>>) target_semaphore(%run_scoped3A : memref<!tpu.dma_semaphore, #tpu.memory_space<semaphore_mem>>)
      %dma_wait3A = tpu.memref_slice %arg4[%mul3A_68] : memref<1048576xf32, #tpu.memory_space<hbm>> -> memref<4096xf32, #tpu.memory_space<hbm>>
      %dma_wait3A_106 = tpu.memref_slice %arg4[%mul3A_68] : memref<1048576xf32, #tpu.memory_space<hbm>> -> memref<4096xf32, #tpu.memory_space<hbm>>
      tpu.wait_dma2 semaphore(%run_scoped3A : memref<!tpu.dma_semaphore, #tpu.memory_space<semaphore_mem>>) src(%arg7 : memref<4096xf32, #tpu.memory_space<vmem>>) dst(%dma_wait3A_106 : memref<4096xf32, #tpu.memory_space<hbm>>)
      tpu.yield
    }) : () -> ()
    %add3A_69 = arith.constant 320 : i32
    %add3A_70 = arith.addi %mul3A_9, %add3A_69 : i32
    %mul3A_71 = arith.constant 512 : i32
    %mul3A_72 = arith.muli %add3A_70, %mul3A_71 : i32
    "tpu.region"() ({
      %run_scoped3A = tpu.sem_alloc : memref<!tpu.dma_semaphore, #tpu.memory_space<semaphore_mem>>
      %dma_start3A = tpu.memref_slice %arg2[%mul3A_72] : memref<8388608xf32, #tpu.memory_space<hbm>> -> memref<32768xf32, #tpu.memory_space<hbm>>
      %dma_start3A_105 = tpu.memref_slice %arg2[%mul3A_72] : memref<8388608xf32, #tpu.memory_space<hbm>> -> memref<32768xf32, #tpu.memory_space<hbm>>
      tpu.enqueue_dma source(%dma_start3A_105 : memref<32768xf32, #tpu.memory_space<hbm>>) target(%arg6 : memref<32768xf32, #tpu.memory_space<vmem>>) target_semaphore(%run_scoped3A : memref<!tpu.dma_semaphore, #tpu.memory_space<semaphore_mem>>)
      %dma_wait3A = tpu.memref_slice %arg2[%mul3A_72] : memref<8388608xf32, #tpu.memory_space<hbm>> -> memref<32768xf32, #tpu.memory_space<hbm>>
      %dma_wait3A_106 = tpu.memref_slice %arg2[%mul3A_72] : memref<8388608xf32, #tpu.memory_space<hbm>> -> memref<32768xf32, #tpu.memory_space<hbm>>
      tpu.wait_dma2 semaphore(%run_scoped3A : memref<!tpu.dma_semaphore, #tpu.memory_space<semaphore_mem>>) src(%dma_wait3A_106 : memref<32768xf32, #tpu.memory_space<hbm>>) dst(%arg6 : memref<32768xf32, #tpu.memory_space<vmem>>)
      tpu.yield
    }) : () -> ()
    %scan3A_73 = arith.constant 0 : i32
    %scan3A_74 = arith.constant 0 : i32
    %scan3A_75 = arith.constant 64 : i32
    %scan3A_76 = arith.addi %scan3A_74, %scan3A_75 : i32
    %scan3A_77 = arith.constant 1 : i32
    scf.for %scan3A_105 = %scan3A_74 to %scan3A_76 step %scan3A_77  : i32 {
      %mul3A_106 = arith.constant 512 : i32
      %mul3A_107 = arith.muli %scan3A_105, %mul3A_106 : i32
      %mul3A_108 = arith.constant 64 : i32
      %mul3A_109 = arith.muli %scan3A_105, %mul3A_108 : i32
      %add3A_110 = vector.broadcast %mul3A_107 : i32 to vector<16xi32>
      %add3A_111 = arith.addi %get3A_1, %add3A_110 : vector<16xi32>
      %gather3A = tpu.vector_load_idx %arg6[%add3A_111] : memref<32768xf32, #tpu.memory_space<vmem>>[vector<16xi32>], vector<16xf32>,
      %add3A_112 = arith.constant 0 : i32
      %add3A_113 = arith.addi %mul3A_109, %add3A_112 : i32
      %swap3A = arith.index_cast %add3A_113 : i32 to index
      %swap3A_114 = tpu.vector_load %arg7[%swap3A] {strides = array<i32>} : memref<4096xf32, #tpu.memory_space<vmem>>, vector<16xf32>,
      tpu.vector_store %arg7[%swap3A], %gather3A {strides = array<i32>} : memref<4096xf32, #tpu.memory_space<vmem>>, vector<16xf32>,
      %add3A_115 = vector.broadcast %mul3A_107 : i32 to vector<16xi32>
      %add3A_116 = arith.addi %get3A_3, %add3A_115 : vector<16xi32>
      %gather3A_117 = tpu.vector_load_idx %arg6[%add3A_116] : memref<32768xf32, #tpu.memory_space<vmem>>[vector<16xi32>], vector<16xf32>,
      %add3A_118 = arith.constant 16 : i32
      %add3A_119 = arith.addi %mul3A_109, %add3A_118 : i32
      %swap3A_120 = arith.index_cast %add3A_119 : i32 to index
      %swap3A_121 = tpu.vector_load %arg7[%swap3A_120] {strides = array<i32>} : memref<4096xf32, #tpu.memory_space<vmem>>, vector<16xf32>,
      tpu.vector_store %arg7[%swap3A_120], %gather3A_117 {strides = array<i32>} : memref<4096xf32, #tpu.memory_space<vmem>>, vector<16xf32>,
      %add3A_122 = vector.broadcast %mul3A_107 : i32 to vector<16xi32>
      %add3A_123 = arith.addi %get3A_5, %add3A_122 : vector<16xi32>
      %gather3A_124 = tpu.vector_load_idx %arg6[%add3A_123] : memref<32768xf32, #tpu.memory_space<vmem>>[vector<16xi32>], vector<16xf32>,
      %add3A_125 = arith.constant 32 : i32
      %add3A_126 = arith.addi %mul3A_109, %add3A_125 : i32
      %swap3A_127 = arith.index_cast %add3A_126 : i32 to index
      %swap3A_128 = tpu.vector_load %arg7[%swap3A_127] {strides = array<i32>} : memref<4096xf32, #tpu.memory_space<vmem>>, vector<16xf32>,
      tpu.vector_store %arg7[%swap3A_127], %gather3A_124 {strides = array<i32>} : memref<4096xf32, #tpu.memory_space<vmem>>, vector<16xf32>,
      %add3A_129 = vector.broadcast %mul3A_107 : i32 to vector<16xi32>
      %add3A_130 = arith.addi %get3A_7, %add3A_129 : vector<16xi32>
      %gather3A_131 = tpu.vector_load_idx %arg6[%add3A_130] : memref<32768xf32, #tpu.memory_space<vmem>>[vector<16xi32>], vector<16xf32>,
      %add3A_132 = arith.constant 48 : i32
      %add3A_133 = arith.addi %mul3A_109, %add3A_132 : i32
      %swap3A_134 = arith.index_cast %add3A_133 : i32 to index
      %swap3A_135 = tpu.vector_load %arg7[%swap3A_134] {strides = array<i32>} : memref<4096xf32, #tpu.memory_space<vmem>>, vector<16xf32>,
      tpu.vector_store %arg7[%swap3A_134], %gather3A_131 {strides = array<i32>} : memref<4096xf32, #tpu.memory_space<vmem>>, vector<16xf32>,
    }
    %scan3A_78 = arith.constant 64 : i32
    %mul3A_79 = arith.constant 64 : i32
    %mul3A_80 = arith.muli %add3A_70, %mul3A_79 : i32
    "tpu.region"() ({
      %run_scoped3A = tpu.sem_alloc : memref<!tpu.dma_semaphore, #tpu.memory_space<semaphore_mem>>
      %dma_start3A = tpu.memref_slice %arg4[%mul3A_80] : memref<1048576xf32, #tpu.memory_space<hbm>> -> memref<4096xf32, #tpu.memory_space<hbm>>
      %dma_start3A_105 = tpu.memref_slice %arg4[%mul3A_80] : memref<1048576xf32, #tpu.memory_space<hbm>> -> memref<4096xf32, #tpu.memory_space<hbm>>
      tpu.enqueue_dma source(%arg7 : memref<4096xf32, #tpu.memory_space<vmem>>) target(%dma_start3A_105 : memref<4096xf32, #tpu.memory_space<hbm>>) target_semaphore(%run_scoped3A : memref<!tpu.dma_semaphore, #tpu.memory_space<semaphore_mem>>)
      %dma_wait3A = tpu.memref_slice %arg4[%mul3A_80] : memref<1048576xf32, #tpu.memory_space<hbm>> -> memref<4096xf32, #tpu.memory_space<hbm>>
      %dma_wait3A_106 = tpu.memref_slice %arg4[%mul3A_80] : memref<1048576xf32, #tpu.memory_space<hbm>> -> memref<4096xf32, #tpu.memory_space<hbm>>
      tpu.wait_dma2 semaphore(%run_scoped3A : memref<!tpu.dma_semaphore, #tpu.memory_space<semaphore_mem>>) src(%arg7 : memref<4096xf32, #tpu.memory_space<vmem>>) dst(%dma_wait3A_106 : memref<4096xf32, #tpu.memory_space<hbm>>)
      tpu.yield
    }) : () -> ()
    %add3A_81 = arith.constant 384 : i32
    %add3A_82 = arith.addi %mul3A_9, %add3A_81 : i32
    %mul3A_83 = arith.constant 512 : i32
    %mul3A_84 = arith.muli %add3A_82, %mul3A_83 : i32
    "tpu.region"() ({
      %run_scoped3A = tpu.sem_alloc : memref<!tpu.dma_semaphore, #tpu.memory_space<semaphore_mem>>
      %dma_start3A = tpu.memref_slice %arg2[%mul3A_84] : memref<8388608xf32, #tpu.memory_space<hbm>> -> memref<32768xf32, #tpu.memory_space<hbm>>
      %dma_start3A_105 = tpu.memref_slice %arg2[%mul3A_84] : memref<8388608xf32, #tpu.memory_space<hbm>> -> memref<32768xf32, #tpu.memory_space<hbm>>
      tpu.enqueue_dma source(%dma_start3A_105 : memref<32768xf32, #tpu.memory_space<hbm>>) target(%arg6 : memref<32768xf32, #tpu.memory_space<vmem>>) target_semaphore(%run_scoped3A : memref<!tpu.dma_semaphore, #tpu.memory_space<semaphore_mem>>)
      %dma_wait3A = tpu.memref_slice %arg2[%mul3A_84] : memref<8388608xf32, #tpu.memory_space<hbm>> -> memref<32768xf32, #tpu.memory_space<hbm>>
      %dma_wait3A_106 = tpu.memref_slice %arg2[%mul3A_84] : memref<8388608xf32, #tpu.memory_space<hbm>> -> memref<32768xf32, #tpu.memory_space<hbm>>
      tpu.wait_dma2 semaphore(%run_scoped3A : memref<!tpu.dma_semaphore, #tpu.memory_space<semaphore_mem>>) src(%dma_wait3A_106 : memref<32768xf32, #tpu.memory_space<hbm>>) dst(%arg6 : memref<32768xf32, #tpu.memory_space<vmem>>)
      tpu.yield
    }) : () -> ()
    %scan3A_85 = arith.constant 0 : i32
    %scan3A_86 = arith.constant 0 : i32
    %scan3A_87 = arith.constant 64 : i32
    %scan3A_88 = arith.addi %scan3A_86, %scan3A_87 : i32
    %scan3A_89 = arith.constant 1 : i32
    scf.for %scan3A_105 = %scan3A_86 to %scan3A_88 step %scan3A_89  : i32 {
      %mul3A_106 = arith.constant 512 : i32
      %mul3A_107 = arith.muli %scan3A_105, %mul3A_106 : i32
      %mul3A_108 = arith.constant 64 : i32
      %mul3A_109 = arith.muli %scan3A_105, %mul3A_108 : i32
      %add3A_110 = vector.broadcast %mul3A_107 : i32 to vector<16xi32>
      %add3A_111 = arith.addi %get3A_1, %add3A_110 : vector<16xi32>
      %gather3A = tpu.vector_load_idx %arg6[%add3A_111] : memref<32768xf32, #tpu.memory_space<vmem>>[vector<16xi32>], vector<16xf32>,
      %add3A_112 = arith.constant 0 : i32
      %add3A_113 = arith.addi %mul3A_109, %add3A_112 : i32
      %swap3A = arith.index_cast %add3A_113 : i32 to index
      %swap3A_114 = tpu.vector_load %arg7[%swap3A] {strides = array<i32>} : memref<4096xf32, #tpu.memory_space<vmem>>, vector<16xf32>,
      tpu.vector_store %arg7[%swap3A], %gather3A {strides = array<i32>} : memref<4096xf32, #tpu.memory_space<vmem>>, vector<16xf32>,
      %add3A_115 = vector.broadcast %mul3A_107 : i32 to vector<16xi32>
      %add3A_116 = arith.addi %get3A_3, %add3A_115 : vector<16xi32>
      %gather3A_117 = tpu.vector_load_idx %arg6[%add3A_116] : memref<32768xf32, #tpu.memory_space<vmem>>[vector<16xi32>], vector<16xf32>,
      %add3A_118 = arith.constant 16 : i32
      %add3A_119 = arith.addi %mul3A_109, %add3A_118 : i32
      %swap3A_120 = arith.index_cast %add3A_119 : i32 to index
      %swap3A_121 = tpu.vector_load %arg7[%swap3A_120] {strides = array<i32>} : memref<4096xf32, #tpu.memory_space<vmem>>, vector<16xf32>,
      tpu.vector_store %arg7[%swap3A_120], %gather3A_117 {strides = array<i32>} : memref<4096xf32, #tpu.memory_space<vmem>>, vector<16xf32>,
      %add3A_122 = vector.broadcast %mul3A_107 : i32 to vector<16xi32>
      %add3A_123 = arith.addi %get3A_5, %add3A_122 : vector<16xi32>
      %gather3A_124 = tpu.vector_load_idx %arg6[%add3A_123] : memref<32768xf32, #tpu.memory_space<vmem>>[vector<16xi32>], vector<16xf32>,
      %add3A_125 = arith.constant 32 : i32
      %add3A_126 = arith.addi %mul3A_109, %add3A_125 : i32
      %swap3A_127 = arith.index_cast %add3A_126 : i32 to index
      %swap3A_128 = tpu.vector_load %arg7[%swap3A_127] {strides = array<i32>} : memref<4096xf32, #tpu.memory_space<vmem>>, vector<16xf32>,
      tpu.vector_store %arg7[%swap3A_127], %gather3A_124 {strides = array<i32>} : memref<4096xf32, #tpu.memory_space<vmem>>, vector<16xf32>,
      %add3A_129 = vector.broadcast %mul3A_107 : i32 to vector<16xi32>
      %add3A_130 = arith.addi %get3A_7, %add3A_129 : vector<16xi32>
      %gather3A_131 = tpu.vector_load_idx %arg6[%add3A_130] : memref<32768xf32, #tpu.memory_space<vmem>>[vector<16xi32>], vector<16xf32>,
      %add3A_132 = arith.constant 48 : i32
      %add3A_133 = arith.addi %mul3A_109, %add3A_132 : i32
      %swap3A_134 = arith.index_cast %add3A_133 : i32 to index
      %swap3A_135 = tpu.vector_load %arg7[%swap3A_134] {strides = array<i32>} : memref<4096xf32, #tpu.memory_space<vmem>>, vector<16xf32>,
      tpu.vector_store %arg7[%swap3A_134], %gather3A_131 {strides = array<i32>} : memref<4096xf32, #tpu.memory_space<vmem>>, vector<16xf32>,
    }
    %scan3A_90 = arith.constant 64 : i32
    %mul3A_91 = arith.constant 64 : i32
    %mul3A_92 = arith.muli %add3A_82, %mul3A_91 : i32
    "tpu.region"() ({
      %run_scoped3A = tpu.sem_alloc : memref<!tpu.dma_semaphore, #tpu.memory_space<semaphore_mem>>
      %dma_start3A = tpu.memref_slice %arg4[%mul3A_92] : memref<1048576xf32, #tpu.memory_space<hbm>> -> memref<4096xf32, #tpu.memory_space<hbm>>
      %dma_start3A_105 = tpu.memref_slice %arg4[%mul3A_92] : memref<1048576xf32, #tpu.memory_space<hbm>> -> memref<4096xf32, #tpu.memory_space<hbm>>
      tpu.enqueue_dma source(%arg7 : memref<4096xf32, #tpu.memory_space<vmem>>) target(%dma_start3A_105 : memref<4096xf32, #tpu.memory_space<hbm>>) target_semaphore(%run_scoped3A : memref<!tpu.dma_semaphore, #tpu.memory_space<semaphore_mem>>)
      %dma_wait3A = tpu.memref_slice %arg4[%mul3A_92] : memref<1048576xf32, #tpu.memory_space<hbm>> -> memref<4096xf32, #tpu.memory_space<hbm>>
      %dma_wait3A_106 = tpu.memref_slice %arg4[%mul3A_92] : memref<1048576xf32, #tpu.memory_space<hbm>> -> memref<4096xf32, #tpu.memory_space<hbm>>
      tpu.wait_dma2 semaphore(%run_scoped3A : memref<!tpu.dma_semaphore, #tpu.memory_space<semaphore_mem>>) src(%arg7 : memref<4096xf32, #tpu.memory_space<vmem>>) dst(%dma_wait3A_106 : memref<4096xf32, #tpu.memory_space<hbm>>)
      tpu.yield
    }) : () -> ()
    %add3A_93 = arith.constant 448 : i32
    %add3A_94 = arith.addi %mul3A_9, %add3A_93 : i32
    %mul3A_95 = arith.constant 512 : i32
    %mul3A_96 = arith.muli %add3A_94, %mul3A_95 : i32
    "tpu.region"() ({
      %run_scoped3A = tpu.sem_alloc : memref<!tpu.dma_semaphore, #tpu.memory_space<semaphore_mem>>
      %dma_start3A = tpu.memref_slice %arg2[%mul3A_96] : memref<8388608xf32, #tpu.memory_space<hbm>> -> memref<32768xf32, #tpu.memory_space<hbm>>
      %dma_start3A_105 = tpu.memref_slice %arg2[%mul3A_96] : memref<8388608xf32, #tpu.memory_space<hbm>> -> memref<32768xf32, #tpu.memory_space<hbm>>
      tpu.enqueue_dma source(%dma_start3A_105 : memref<32768xf32, #tpu.memory_space<hbm>>) target(%arg6 : memref<32768xf32, #tpu.memory_space<vmem>>) target_semaphore(%run_scoped3A : memref<!tpu.dma_semaphore, #tpu.memory_space<semaphore_mem>>)
      %dma_wait3A = tpu.memref_slice %arg2[%mul3A_96] : memref<8388608xf32, #tpu.memory_space<hbm>> -> memref<32768xf32, #tpu.memory_space<hbm>>
      %dma_wait3A_106 = tpu.memref_slice %arg2[%mul3A_96] : memref<8388608xf32, #tpu.memory_space<hbm>> -> memref<32768xf32, #tpu.memory_space<hbm>>
      tpu.wait_dma2 semaphore(%run_scoped3A : memref<!tpu.dma_semaphore, #tpu.memory_space<semaphore_mem>>) src(%dma_wait3A_106 : memref<32768xf32, #tpu.memory_space<hbm>>) dst(%arg6 : memref<32768xf32, #tpu.memory_space<vmem>>)
      tpu.yield
    }) : () -> ()
    %scan3A_97 = arith.constant 0 : i32
    %scan3A_98 = arith.constant 0 : i32
    %scan3A_99 = arith.constant 64 : i32
    %scan3A_100 = arith.addi %scan3A_98, %scan3A_99 : i32
    %scan3A_101 = arith.constant 1 : i32
    scf.for %scan3A_105 = %scan3A_98 to %scan3A_100 step %scan3A_101  : i32 {
      %mul3A_106 = arith.constant 512 : i32
      %mul3A_107 = arith.muli %scan3A_105, %mul3A_106 : i32
      %mul3A_108 = arith.constant 64 : i32
      %mul3A_109 = arith.muli %scan3A_105, %mul3A_108 : i32
      %add3A_110 = vector.broadcast %mul3A_107 : i32 to vector<16xi32>
      %add3A_111 = arith.addi %get3A_1, %add3A_110 : vector<16xi32>
      %gather3A = tpu.vector_load_idx %arg6[%add3A_111] : memref<32768xf32, #tpu.memory_space<vmem>>[vector<16xi32>], vector<16xf32>,
      %add3A_112 = arith.constant 0 : i32
      %add3A_113 = arith.addi %mul3A_109, %add3A_112 : i32
      %swap3A = arith.index_cast %add3A_113 : i32 to index
      %swap3A_114 = tpu.vector_load %arg7[%swap3A] {strides = array<i32>} : memref<4096xf32, #tpu.memory_space<vmem>>, vector<16xf32>,
      tpu.vector_store %arg7[%swap3A], %gather3A {strides = array<i32>} : memref<4096xf32, #tpu.memory_space<vmem>>, vector<16xf32>,
      %add3A_115 = vector.broadcast %mul3A_107 : i32 to vector<16xi32>
      %add3A_116 = arith.addi %get3A_3, %add3A_115 : vector<16xi32>
      %gather3A_117 = tpu.vector_load_idx %arg6[%add3A_116] : memref<32768xf32, #tpu.memory_space<vmem>>[vector<16xi32>], vector<16xf32>,
      %add3A_118 = arith.constant 16 : i32
      %add3A_119 = arith.addi %mul3A_109, %add3A_118 : i32
      %swap3A_120 = arith.index_cast %add3A_119 : i32 to index
      %swap3A_121 = tpu.vector_load %arg7[%swap3A_120] {strides = array<i32>} : memref<4096xf32, #tpu.memory_space<vmem>>, vector<16xf32>,
      tpu.vector_store %arg7[%swap3A_120], %gather3A_117 {strides = array<i32>} : memref<4096xf32, #tpu.memory_space<vmem>>, vector<16xf32>,
      %add3A_122 = vector.broadcast %mul3A_107 : i32 to vector<16xi32>
      %add3A_123 = arith.addi %get3A_5, %add3A_122 : vector<16xi32>
      %gather3A_124 = tpu.vector_load_idx %arg6[%add3A_123] : memref<32768xf32, #tpu.memory_space<vmem>>[vector<16xi32>], vector<16xf32>,
      %add3A_125 = arith.constant 32 : i32
      %add3A_126 = arith.addi %mul3A_109, %add3A_125 : i32
      %swap3A_127 = arith.index_cast %add3A_126 : i32 to index
      %swap3A_128 = tpu.vector_load %arg7[%swap3A_127] {strides = array<i32>} : memref<4096xf32, #tpu.memory_space<vmem>>, vector<16xf32>,
      tpu.vector_store %arg7[%swap3A_127], %gather3A_124 {strides = array<i32>} : memref<4096xf32, #tpu.memory_space<vmem>>, vector<16xf32>,
      %add3A_129 = vector.broadcast %mul3A_107 : i32 to vector<16xi32>
      %add3A_130 = arith.addi %get3A_7, %add3A_129 : vector<16xi32>
      %gather3A_131 = tpu.vector_load_idx %arg6[%add3A_130] : memref<32768xf32, #tpu.memory_space<vmem>>[vector<16xi32>], vector<16xf32>,
      %add3A_132 = arith.constant 48 : i32
      %add3A_133 = arith.addi %mul3A_109, %add3A_132 : i32
      %swap3A_134 = arith.index_cast %add3A_133 : i32 to index
      %swap3A_135 = tpu.vector_load %arg7[%swap3A_134] {strides = array<i32>} : memref<4096xf32, #tpu.memory_space<vmem>>, vector<16xf32>,
      tpu.vector_store %arg7[%swap3A_134], %gather3A_131 {strides = array<i32>} : memref<4096xf32, #tpu.memory_space<vmem>>, vector<16xf32>,
    }
    %scan3A_102 = arith.constant 64 : i32
    %mul3A_103 = arith.constant 64 : i32
    %mul3A_104 = arith.muli %add3A_94, %mul3A_103 : i32
    "tpu.region"() ({
      %run_scoped3A = tpu.sem_alloc : memref<!tpu.dma_semaphore, #tpu.memory_space<semaphore_mem>>
      %dma_start3A = tpu.memref_slice %arg4[%mul3A_104] : memref<1048576xf32, #tpu.memory_space<hbm>> -> memref<4096xf32, #tpu.memory_space<hbm>>
      %dma_start3A_105 = tpu.memref_slice %arg4[%mul3A_104] : memref<1048576xf32, #tpu.memory_space<hbm>> -> memref<4096xf32, #tpu.memory_space<hbm>>
      tpu.enqueue_dma source(%arg7 : memref<4096xf32, #tpu.memory_space<vmem>>) target(%dma_start3A_105 : memref<4096xf32, #tpu.memory_space<hbm>>) target_semaphore(%run_scoped3A : memref<!tpu.dma_semaphore, #tpu.memory_space<semaphore_mem>>)
      %dma_wait3A = tpu.memref_slice %arg4[%mul3A_104] : memref<1048576xf32, #tpu.memory_space<hbm>> -> memref<4096xf32, #tpu.memory_space<hbm>>
      %dma_wait3A_106 = tpu.memref_slice %arg4[%mul3A_104] : memref<1048576xf32, #tpu.memory_space<hbm>> -> memref<4096xf32, #tpu.memory_space<hbm>>
      tpu.wait_dma2 semaphore(%run_scoped3A : memref<!tpu.dma_semaphore, #tpu.memory_space<semaphore_mem>>) src(%arg7 : memref<4096xf32, #tpu.memory_space<vmem>>) dst(%dma_wait3A_106 : memref<4096xf32, #tpu.memory_space<hbm>>)
      tpu.yield
    }) : () -> ()
    return
  }
}

</mosaic_0001>

<sc_bundles>
// kernel: kernel.3.cloned.1.call-start
scs
__scs_entry_jumppad:
0x0: {  	(pc) =	sbr.rel $0x88, $3  }
0x1: {  	(tag) =	ssettag $0x0;
	lr =	simm.s32 $0x1  }
0x2: {  	[smem:$0x3F9F] =	sst lr;
	_ =	strace $0xD0000000  }
0x3: {  	_ = 	snop  }
0x4: {  	_ = 	snop  }
0x5: {  	_ = 	snop  }
0x6: {  	_ = 	snop  }
0x7: {  	_ = 	snop  }
__scs_overlays_trampoline_lowered:
0x8: {  	[smem:$0x3FAE] =	sst s0  }
0x9: {  	[smem:$0x3FAF] =	sst s1  }
0xa: {  	[smem:$0x3FB0] =	sst s2  }
0xb: {  	[smem:$0x3FB1] =	sst s3  }
0xc: {  	[smem:$0x3FB2] =	sst s4  }
0xd: {  	[smem:$0x3FB3] =	sst s5  }
0xe: {  	[smem:$0x3FB4] =	sst s6  }
0xf: {  	[smem:$0x3FB5] =	sst s7  }
0x10: {  	[smem:$0x3FB6] =	sst s8  }
0x11: {  	[smem:$0x3FB7] =	sst s9;
	s0 =	simm.s32 @!p0 $0x0  }
0x12: {  	s1 =	sld [smem:$0x3F9D];
	s0 =	simm.s32 @p0 $0x1  }
0x13: {  	[smem:$0x3FB8] =	sst s0;
	s0 =	simm.s32 @!p1 $0x0  }
0x14: {  	s2 =	sld [smem:$0x3F9C];
	s0 =	simm.s32 @p1 $0x1  }
0x15: {  	[smem:$0x3FB9] =	sst s0;
	s0 =	simm.s32 @!p2 $0x0  }
0x16: {  	s3 =	sld [smem:$0x3FDB];
	s0 =	simm.s32 @p2 $0x1  }
0x17: {  	s4 =	simm.s32 $0x1BF5;
	[smem:$0x3FBB] =	sst s0  }
0x18: {  	s0 =	sld [smem:$0x3F9E];
	_ =	swait.ge [sflag:s4], $0x0  }
0x19: {  	s7 =	sld [smem:$0x3F9F]  }
0x1a: {  	s8 =	sadd.s32 $0xFFFFE003, lr  }
0x1b: {  	s9 =	sadd.s32 $0xFFFFFEF7, lr;
	s5 =	simm.s32 $0xFFFFFFFF;
	p2 =	slt.u32 s8, $0xFFFFF086  }
0x1c: {  	p1 =	slt.u32 s9, $0xF7A;
	s5 =	simm.s32 @!p2 $0x0  }
0x1d: {  	s5 =	simm.s32 @p1 $0x1;
	p0 =	seq.s32 s7, s2  }
0x1e: {  	s7 =	smul.u32 @!p0 $0xF7A, s2;
	p2 =	seq.s32 @!p0 s5, $0x0  }
0x1f: {  	s9 =	smul.u32 $0xF7A, s1;
	s8 =	simm.s32 @!p0 $0x1BF5;
	p2 =	por !p2, p0  }
0x20: {  	[sflag:s8] =	ssyncset.s32 @!p0 $0xFFFFF086;
	s6 =	sadd.s32 @!p0 s3, s7;
	s7 =	simm.s32 @!p0 $0x108  }
0x21: {  	s3 =	sadd.s32 s3, s9;
	s6 =	sadd.s32 @!p0 $0x88, s6;
	s7 =	simm.s32 @p2 $0x1082  }
0x22: {  	[simem:s7], [sflag:s8] =	dma.local @!p0 [hbm:s6], $0xF7A  }
0x23: {  	s9 =	sor.u32 $0xD0000000, s2;
	s6 =	simm.s32 $0x108;
	_ =	swait.ge @!p0 [sflag:s8], $0x0  }
0x24: {  	s3 =	sadd.s32 $0x88, s3;
	s6 =	simm.s32 @!p1 $0x1082;
	[sflag:s4] =	ssyncset.s32 $0xFFFFF086  }
0x25: {  	[simem:s6], [sflag:s4] =	dma.local [hbm:s3], $0xF7A  }
0x26: {  	[smem:$0x3F9F] =	sst s1;
	(tag) =	ssettag s2;
	_ =	strace s9  }
0x27: {  	s1 =	sld [smem:$0x3FAF]  }
0x28: {  	s2 =	sld [smem:$0x3FB0]  }
0x29: {  	s4 =	sld [smem:$0x3FB2]  }
0x2a: {  	p0 =	seq.s32 s5, $0x0;
	s5 =	sld [smem:$0x3FB3]  }
0x2b: {  	s6 =	sld [smem:$0x3FB4]  }
0x2c: {  	s7 =	sld [smem:$0x3FB5]  }
0x2d: {  	s3 =	simm.s32 $0x108;
	s8 =	sld [smem:$0x3FB6]  }
0x2e: {  	s3 =	simm.s32 @!p0 $0x1082;
	s9 =	sld [smem:$0x3FB7]  }
0x2f: {  	lr =	sadd.s32 s0, s3;
	s0 =	sld [smem:$0x3FAE]  }
0x30: {  	s3 =	sld [smem:$0x3FB1]  }
0x31: {  	[smem:$0x3FBA] =	sst s10  }
0x32: {  	s10 =	sld [smem:$0x3FB8];
	_ =	sdelay $0x3  }
0x33: {  	p0 =	seq.s32 s10, $0x1;
	s10 =	sld [smem:$0x3FBA];
	_ =	sdelay $0x3  }
0x34: {  	[smem:$0x3FBA] =	sst s10  }
0x35: {  	s10 =	sld [smem:$0x3FB9];
	_ =	sdelay $0x3  }
0x36: {  	p1 =	seq.s32 s10, $0x1;
	s10 =	sld [smem:$0x3FBA];
	_ =	sdelay $0x3  }
0x37: {  	[smem:$0x3FBA] =	sst s10  }
0x38: {  	s10 =	sld [smem:$0x3FBB]  }
0x39: {  	_ = 	snop;
	(pc) =	sbr.ind lr, $3  }
0x3a: {  	_ = 	snop  }
0x3b: {  	_ = 	snop  }
0x3c: {  	p2 =	seq.s32 s10, $0x1;
	s10 =	sld [smem:$0x3FBA]  }
0x3d: {  	_ =	shalt  }
0x3e: {  	_ =	shalt  }
0x3f: {  	_ =	shalt  }
0x40: {  	_ =	shalt  }
0x41: {  	_ =	shalt  }
0x42: {  	_ =	shalt  }
0x43: {  	_ =	shalt  }
0x44: {  	_ =	shalt  }
0x45: {  	_ =	shalt  }
0x46: {  	_ =	shalt  }
0x47: {  	_ =	shalt  }
0x48: {  	_ =	shalt  }
0x49: {  	_ =	shalt  }
0x4a: {  	_ =	shalt  }
0x4b: {  	_ =	shalt  }
0x4c: {  	_ =	shalt  }
0x4d: {  	_ =	shalt  }
0x4e: {  	_ =	shalt  }
0x4f: {  	_ =	shalt  }
0x50: {  	_ =	shalt  }
0x51: {  	_ =	shalt  }
0x52: {  	_ =	shalt  }
0x53: {  	_ =	shalt  }
0x54: {  	_ =	shalt  }
0x55: {  	_ =	shalt  }
0x56: {  	_ =	shalt  }
0x57: {  	_ =	shalt  }
0x58: {  	_ =	shalt  }
0x59: {  	_ =	shalt  }
0x5a: {  	_ =	shalt  }
0x5b: {  	_ =	shalt  }
0x5c: {  	_ =	shalt  }
0x5d: {  	_ =	shalt  }
0x5e: {  	_ =	shalt  }
0x5f: {  	_ =	shalt  }
0x60: {  	_ =	shalt  }
0x61: {  	_ =	shalt  }
0x62: {  	_ =	shalt  }
0x63: {  	_ =	shalt  }
0x64: {  	_ =	shalt  }
0x65: {  	_ =	shalt  }
0x66: {  	_ =	shalt  }
0x67: {  	_ =	shalt  }
0x68: {  	_ =	shalt  }
0x69: {  	_ =	shalt  }
0x6a: {  	_ =	shalt  }
0x6b: {  	_ =	shalt  }
0x6c: {  	_ =	shalt  }
0x6d: {  	_ =	shalt  }
0x6e: {  	_ =	shalt  }
0x6f: {  	_ =	shalt  }
0x70: {  	_ =	shalt  }
0x71: {  	_ =	shalt  }
0x72: {  	_ =	shalt  }
0x73: {  	_ =	shalt  }
0x74: {  	_ =	shalt  }
0x75: {  	_ =	shalt  }
0x76: {  	_ =	shalt  }
0x77: {  	_ =	shalt  }
0x78: {  	_ =	shalt  }
0x79: {  	_ =	shalt  }
0x7a: {  	_ =	shalt  }
0x7b: {  	_ =	shalt  }
0x7c: {  	_ =	shalt  }
0x7d: {  	_ =	shalt  }
0x7e: {  	_ =	shalt  }
0x7f: {  	_ =	shalt  }
0x80: {  	_ =	shalt  }
0x81: {  	_ =	shalt  }
0x82: {  	_ =	shalt  }
0x83: {  	_ =	shalt  }
0x84: {  	_ =	shalt  }
0x85: {  	_ =	shalt  }
0x86: {  	_ =	shalt  }
0x87: {  	_ =	shalt  }
.Lfunc_end0:
.L_simem_size_0:
called_computation.1_lowered:
.L_overlay_start_0:
0x88: {  	s2 =	sld [smem:$0x3FD9]  }
0x89: {  	s3 =	sld [smem:$0x3FFE];
	_ =	sdelay $0x1  }
0x8a: {  	s1 =	srdreg.scid  }
0x8b: {  	s0 =	sand.u32 $0x1, s1  }
0x8c: {  	s17 =	sshll.u32 s0, $0xA;
	s2 =	sadd.s32 s3, s2  }
0x8d: {  	s2 =	sadd.s32 s2, s17  }
0x8e: {  	[smem:$0x3FC6] =	sst s2  }
0x8f: {  	_ = 	snop  }
0x90: {  	s2 =	sld [smem:$0x3FC8]  }
0x91: {  	s18 =	sld [smem:$0x3FD0];
	(tm) =	ssettm $0x1  }
0x92: {  	s4 =	sld [smem:$0x3FFB];
	_ =	sdelay $0x3  }
0x93: {  	_ =	strace s4  }
0x94: {  	s4 =	sld [smem:$0x3FFC];
	_ =	sdelay $0x3  }
0x95: {  	_ =	strace s4  }
0x96: {  	s4 =	sld [smem:$0x3FFD];
	_ =	sdelay $0x3  }
0x97: {  	_ =	strace s4  }
0x98: {  	_ =	strace $0x8FFFFFFF  }
0x99: {  	s19 =	sld [smem:$0x3FDB];
	_ =	sdelay $0x1  }
0x9a: {  	s5 =	simm.s32 $_scs_section_size  }
0x9b: {  	s6 =	simm.s32 $_size__tile_overlayer_lowered;
	s7 =	simm.s32 $_tile_overlayer_lowered  }
0x9c: {  	s22 =	simm.s32 $0x1BFF;
	s21 =	sshll.u32 s7, $0x1;
	s4 =	sadd.s32 s5, s19  }
0x9d: {  	s8 =	simm.s32 $0x0;
	s20 =	sshll.u32 s6, $0x1;
	s6 =	sadd.s32 s21, s4  }
0x9e: {  	[timem:s8], [sflag:s22] =	dma.local [hbm:s6], s20  }
0x9f: {  	_ =	swait.ge [sflag:s22], s20  }
0xa0: {  	s5 =	ssub.s32 $0x0, s20;
	[sflag:s22] =	ssyncset.done $0x0  }
0xa1: {  	[sflag:s22] =	ssyncadd.s32 s5;
	_ =	sdelay $0x1  }
0xa2: {  	s23 =	simm.s32 $0x1B8B  }
0xa3: {  	_ =	swait.ge [sflag:s23], $0x1  }
0xa4: {  	[sflag:s23] =	ssyncset.done $0x0  }
0xa5: {  	s25 =	simm.s32 $0x1B8E;
	s24 =	sld [smem:$0x3FFE];
	[sflag:s23] =	ssyncadd.s32 $0xFFFFFFFF  }
0xa6: {  	s26 =	simm.s32 $execute0_lowered;
	[smem:$0x3FD2] =	sst s25  }
0xa7: {  	s6 =	sshll.u32 s26, $0x1;
	_ =	strace $0x80000049;
	[dreg:$0x1] =	wrdreg $0xFFFFFFFF  }
0xa8: {  	s28 =	simm.s32 $_size_execute0_lowered;
	s4 =	sadd.s32 s4, s6;
	[dreg:$0x0] =	wrdreg $0x0  }
0xa9: {  	s6 =	sshll.u32 s28, $0x1;
	[dreg:$0x2] =	wrdreg s4  }
0xaa: {  	[dreg:$0x3] =	wrdreg s6  }
0xab: {  	[dreg:$0x4] =	wrdreg $0xC0  }
0xac: {  	_ =	task [dreg:s8], $0x5FFFF  }
0xad: {  	[dreg:$0x1] =	wrdreg $0xFFFFFFFF  }
0xae: {  	[dreg:$0x0] =	wrdreg $0x60  }
0xaf: {  	[dreg:$0x2] =	wrdreg s24  }
0xb0: {  	[dreg:$0x3] =	wrdreg s2  }
0xb1: {  	[dreg:$0x4] =	wrdreg s18  }
0xb2: {  	[dreg:$0x5] =	wrdreg $0x9  }
0xb3: {  	_ =	task.clear_ibuf [dreg:s8], $0x6FFFF;
	_ =	strace $0x90000049  }
0xb4: {  	s29 =	simm.s32 $0x9;
	_ =	strace $0x8000004B  }
0xb5: {  	_ =	swait.ge [sflag:s29], $0x1  }
0xb6: {  	[sflag:s29] =	ssyncadd.s32 $0xFFFFFFFF  }
0xb7: {  	_ =	strace $0x9000004B  }
0xb8: {  	_ =	sfence  }
0xb9: {  	s30 =	sld [smem:$0x0];
	_ =	sdelay $0x2  }
0xba: {  	s31 =	sshll.u32 s1, $0xD;
	s1 =	sshrl.u32 s1, $0x2  }
0xbb: {  	s3 =	sand.u32 $0x4000, s31;
	s1 =	sadd.s32 s1, s30  }
0xbc: {  	s0 =	sor.u32 s3, s0;
	s1 =	sshll.u32 s1, $0x11  }
0xbd: {  	s0 =	sor.u32 s1, s0  }
0xbe: {  	s0 =	sadd.s32 $0x8F2B, s0  }
0xbf: {  	[sflag:s0] =	ssyncadd.remote.s32 $0x1  }
0xc0: {  	_ =	sfence.sel $0xFFFF  }
0xc1: {  	[dreg:$0x0] =	wrdreg $0xFFFFFFFF;
	(pc) =	sbr.abs _section_cstart, $3  }
0xc2: {  	[dreg:$0x1] =	wrdreg $0xFFFFFFFF  }
0xc3: {  	_ =	task.clear_ibuf [dreg:s8], $0x2FFFF;
	_ =	strace $0x9FFFFFFF  }
0xc4: {  	(tm) =	ssettm $0x7FFFFFFF  }
0xc5: {  	_ =	shalt  }
tec
execute0_lowered:
.L_overlay_start_1:
0x0: {  	(tag) =	ssettag $0x1  }
0x1: {  	s4 =	rddreg [dreg:$0x0]  }
0x2: {  	s1 =	rddreg [dreg:$0x1]  }
0x3: {  	s19 =	rddreg [dreg:$0x2];
	s2 =	srdreg.scid  }
0x4: {  	s0 =	rddreg [dreg:$0x3];
	s3 =	simm.s32 $0x0;
	s5 =	sand.u32 $0x1, s2  }
0x5: {  	[smem:$0x7FF] =	sst s3;
	s2 =	stileid.u32;
	s6 =	ssub.s32 $0x2, s5  }
0x6: {  	s18 =	sadd.s32 $0x800, s4;
	s8 =	sshll.u32 s2, $0x1;
	s7 =	sshrl.u32 s6, $0x1  }
0x7: {  	_ =	strace $0x8000004A;
	s21 =	sor.u32 s5, s8;
	s20 =	ssub.s32 s6, s7  }
0x8: {  	s16 =	sshll.u32 s21, $0x9;
	s5 =	sshll.u32 s21, $0xF;
	s22 =	sshll.u32 s21, $0xC  }
0x9: {  	s4 =	sadd.s32 s18, s5;
	s5 =	sadd.s32 s19, s22;
	s23 =	sor.u32 $0x40, s16  }
0xa: {  	s9 =	sor.u32 $0x80, s16;
	s10 =	sor.u32 $0xC0, s16;
	s28 =	sor.u32 $0x100, s16  }
0xb: {  	s15 =	sor.u32 $0x140, s16;
	s17 =	sor.u32 $0x180, s16;
	s22 =	sor.u32 $0x1C0, s16  }
0xc: {  	s20 =	smax.u32 s20, $0x1;
	s24 =	sshll.u32 s23, $0x6;
	s25 =	sshll.u32 s23, $0x3  }
0xd: {  	s26 =	sshll.u32 s9, $0x6;
	s9 =	sshll.u32 s9, $0x3;
	s11 =	sshll.u32 s10, $0x6  }
0xe: {  	s12 =	sshll.u32 s10, $0x3;
	s13 =	sshll.u32 s28, $0x6;
	s14 =	sshll.u32 s28, $0x3  }
0xf: {  	s29 =	sshll.u32 s15, $0x6;
	s15 =	sshll.u32 s15, $0x3;
	s21 =	sshll.u32 s17, $0x6  }
0x10: {  	s17 =	sshll.u32 s17, $0x3;
	s30 =	sshll.u32 s22, $0x6;
	s31 =	sshll.u32 s22, $0x3  }
0x11: {  	s22 =	simm.s32 $0x80;
	s23 =	simm.s32 $0x8080;
	s6 =	sadd.s32 s18, s24  }
0x12: {  	s7 =	sadd.s32 s19, s25;
	s8 =	sadd.s32 s18, s26;
	s9 =	sadd.s32 s19, s9  }
0x13: {  	s10 =	sadd.s32 s18, s11;
	s11 =	sadd.s32 s19, s12;
	s12 =	sadd.s32 s18, s13  }
0x14: {  	s13 =	sadd.s32 s19, s14;
	s14 =	sadd.s32 s18, s29;
	s15 =	sadd.s32 s19, s15  }
0x15: {  	s16 =	sadd.s32 s18, s21;
	s17 =	sadd.s32 s19, s17;
	s18 =	sadd.s32 s18, s30  }
0x16: {  	s19 =	sadd.s32 s19, s31;
	s21 =	simm.s32 $0x1;
	s24 =	simm.s32 $0x0  }
.LBB2_1:
0x17: {  	[tilespmem:s3], [sflag:$0x1] =	stream.linear.gather [hbm4b:s1+s3], $0x80, $0x38;
	[tilespmem:$0x9080] =	vst v63  }
0x18: {  	_ =	swait.ge [sflag:s21], $0x80  }
0x19: {  	[sflag:s21] =	ssyncset.done $0x0  }
0x1a: {  	[sflag:s21] =	ssyncadd.s32 $0xFFFFFF80  }
0x1b: {  	v3 =	vld [tilespmem:$0x0];
	_ =	sdelay $0x1  }
0x1c: {  	v2 =	vld [tilespmem:$0x10]  }
0x1d: {  	v1 =	vld [tilespmem:$0x20]  }
0x1e: {  	v0 =	vld [tilespmem:$0x30];
	[tilespmem:s22], [sflag:$0x1] =	stream.linear.gather [hbm4b:s4+s3], $0x8000, $0x38  }
0x1f: {  	_ =	swait.ge [sflag:s21], $0x8000  }
0x20: {  	[sflag:s21] =	ssyncset.done $0x0  }
0x21: {  	[sflag:s21] =	ssyncadd.s32 $0xFFFF8000  }
0x22: {  	v4 =	vld.idx.msk [tilespmem:v3+s22+$0x0], $0xffff;
	_ =	sdelay $0x3  }
0x23: {  	s25 =	simm.s32 $0x80A0  }
0x24: {  	[tilespmem:s25+$0xFFFFFFE0] =	vst v4  }
0x25: {  	v4 =	vld.idx.msk [tilespmem:v2+s22+$0x0], $0xffff;
	_ =	sdelay $0x4  }
0x26: {  	[tilespmem:s25+$0xFFFFFFF0] =	vst v4  }
0x27: {  	v4 =	vld.idx.msk [tilespmem:v1+s22+$0x0], $0xffff;
	_ =	sdelay $0x4  }
0x28: {  	[tilespmem:s25+$0x0] =	vst v4  }
0x29: {  	v6 =	vadd.s32 $0x200, v3;
	v4 =	vld.idx.msk [tilespmem:v0+s22+$0x0], $0xffff  }
0x2a: {  	v8 =	vadd.s32 s3, v6;
	_ =	sdelay $0x3  }
0x2b: {  	[tilespmem:s25+$0x10] =	vst v4  }
0x2c: {  	s28 =	simm.s32 $0x200;
	s29 =	simm.s32 $0x400;
	s26 =	simm.s32 $0x0;
	v7 =	vadd.s32 $0x200, v2;
	v5 =	vadd.s32 $0x200, v1;
	v4 =	vadd.s32 $0x200, v0;
	v8 =	vld.idx.msk [tilespmem:v8+s22+$0x0], $0xffff  }
.LBB2_2:
0x2d: {  	p0 =	sne.s32 s29, $0x7E00  }
0x2e: {  	v9 =	vadd.s32 s26, v7;
	_ =	sdelay $0x2  }
0x2f: {  	s25 =	sadd.s32 $0x40, s25  }
0x30: {  	[tilespmem:s25+$0xFFFFFFE0] =	vst v8  }
0x31: {  	v8 =	vld.idx.msk [tilespmem:v9+s22+$0x0], $0xffff;
	_ =	sdelay $0x1  }
0x32: {  	v9 =	vadd.s32 s26, v5;
	_ =	sdelay $0x3  }
0x33: {  	[tilespmem:s25+$0xFFFFFFF0] =	vst v8  }
0x34: {  	v8 =	vld.idx.msk [tilespmem:v9+s22+$0x0], $0xffff;
	_ =	sdelay $0x1  }
0x35: {  	v9 =	vadd.s32 s26, v4;
	s26 =	smov.u32 s28;
	s28 =	smov.u32 s29;
	_ =	sdelay $0x3  }
0x36: {  	[tilespmem:s25+$0x0] =	vst v8  }
0x37: {  	v8 =	vld.idx.msk [tilespmem:v9+s22+$0x0], $0xffff;
	_ =	sdelay $0x1  }
0x38: {  	v9 =	vadd.s32 s26, v6  }
.Ltmp0:
0x39: {  	(pc) =	sbr.rel @p0 .LBB2_2-.Ltmp0, $3  }
0x3a: {  	_ =	sdelay $0x1  }
0x3b: {  	[tilespmem:s25+$0x10] =	vst v8  }
0x3c: {  	s29 =	sadd.s32 $0x200, s29;
	v8 =	vld.idx.msk [tilespmem:v9+s22+$0x0], $0xffff  }
0x3d: {  	v6 =	vadd.s32 s26, v7;
	_ =	sdelay $0x2  }
0x3e: {  	s25 =	sadd.s32 $0x40, s25  }
0x3f: {  	[tilespmem:s25+$0xFFFFFFE0] =	vst v8  }
0x40: {  	v6 =	vld.idx.msk [tilespmem:v6+s22+$0x0], $0xffff  }
0x41: {  	v5 =	vadd.s32 s26, v5;
	_ =	sdelay $0x3  }
0x42: {  	[tilespmem:s25+$0xFFFFFFF0] =	vst v6  }
0x43: {  	v5 =	vld.idx.msk [tilespmem:v5+s22+$0x0], $0xffff  }
0x44: {  	v4 =	vadd.s32 s26, v4;
	_ =	sdelay $0x3  }
0x45: {  	[tilespmem:s25+$0x0] =	vst v5  }
0x46: {  	v4 =	vld.idx.msk [tilespmem:v4+s22+$0x0], $0xffff;
	_ =	sdelay $0x4  }
0x47: {  	s31 =	simm.s32 $0x0;
	[tilespmem:s25+$0x10] =	vst v4  }
0x48: {  	[hbm4b:s5+s31] =	stream.linear.scatter [tilespmem:s23], [sflag:$0x1], $0x1000, $0x38;
	[tilespmem:$0x9080] =	vst v63  }
0x49: {  	_ =	swait.ge [sflag:s21], $0x1000  }
0x4a: {  	[sflag:s21] =	ssyncset.done $0x0  }
0x4b: {  	v4 =	vadd.s32 s31, v3;
	[sflag:s21] =	ssyncadd.s32 $0xFFFFF000  }
0x4c: {  	[tilespmem:s22], [sflag:$0x1] =	stream.linear.gather [hbm4b:s6+s31], $0x8000, $0x38;
	[tilespmem:$0x9080] =	vst v63  }
0x4d: {  	_ =	swait.ge [sflag:s21], $0x8000  }
0x4e: {  	[sflag:s21] =	ssyncset.done $0x0  }
0x4f: {  	[sflag:s21] =	ssyncadd.s32 $0xFFFF8000  }
0x50: {  	v4 =	vld.idx.msk [tilespmem:v4+s22+$0x0], $0xffff  }
0x51: {  	v5 =	vadd.s32 s31, v2;
	_ =	sdelay $0x2  }
0x52: {  	s25 =	simm.s32 $0x80A0  }
0x53: {  	[tilespmem:s25+$0xFFFFFFE0] =	vst v4  }
0x54: {  	v4 =	vld.idx.msk [tilespmem:v5+s22+$0x0], $0xffff  }
0x55: {  	v5 =	vadd.s32 s31, v1;
	_ =	sdelay $0x3  }
0x56: {  	[tilespmem:s25+$0xFFFFFFF0] =	vst v4  }
0x57: {  	v4 =	vld.idx.msk [tilespmem:v5+s22+$0x0], $0xffff  }
0x58: {  	v5 =	vadd.s32 s31, v0;
	_ =	sdelay $0x3  }
0x59: {  	[tilespmem:s25+$0x0] =	vst v4  }
0x5a: {  	s26 =	simm.s32 $0x200;
	v4 =	vld.idx.msk [tilespmem:v5+s22+$0x0], $0xffff  }
0x5b: {  	s28 =	simm.s32 $0x400;
	v5 =	vadd.s32 s26, v3  }
.LBB2_4:
0x5c: {  	p0 =	sne.s32 s28, $0x7E00;
	_ =	sdelay $0x2  }
0x5d: {  	[tilespmem:s25+$0x10] =	vst v4  }
0x5e: {  	v4 =	vld.idx.msk [tilespmem:v5+s22+$0x0], $0xffff;
	_ =	sdelay $0x1  }
0x5f: {  	v5 =	vadd.s32 s26, v2;
	_ =	sdelay $0x2  }
0x60: {  	s25 =	sadd.s32 $0x40, s25  }
0x61: {  	[tilespmem:s25+$0xFFFFFFE0] =	vst v4  }
0x62: {  	v4 =	vld.idx.msk [tilespmem:v5+s22+$0x0], $0xffff;
	_ =	sdelay $0x1  }
0x63: {  	v5 =	vadd.s32 s26, v1;
	_ =	sdelay $0x3  }
0x64: {  	[tilespmem:s25+$0xFFFFFFF0] =	vst v4  }
0x65: {  	v4 =	vld.idx.msk [tilespmem:v5+s22+$0x0], $0xffff;
	_ =	sdelay $0x1  }
0x66: {  	v5 =	vadd.s32 s26, v0;
	s26 =	smov.u32 s28;
	_ =	sdelay $0x2  }
.Ltmp1:
0x67: {  	(pc) =	sbr.rel @p0 .LBB2_4-.Ltmp1, $3  }
0x68: {  	[tilespmem:s25+$0x0] =	vst v4  }
0x69: {  	v4 =	vld.idx.msk [tilespmem:v5+s22+$0x0], $0xffff;
	_ =	sdelay $0x1  }
0x6a: {  	s28 =	sadd.s32 $0x200, s28;
	v5 =	vadd.s32 s26, v3  }
0x6b: {  	_ =	sdelay $0x2  }
0x6c: {  	[tilespmem:s25+$0x10] =	vst v4  }
0x6d: {  	v4 =	vld.idx.msk [tilespmem:v5+s22+$0x0], $0xffff  }
0x6e: {  	v5 =	vadd.s32 s26, v2;
	_ =	sdelay $0x2  }
0x6f: {  	s30 =	sadd.s32 $0x40, s25  }
0x70: {  	[tilespmem:s30+$0xFFFFFFE0] =	vst v4  }
0x71: {  	v4 =	vld.idx.msk [tilespmem:v5+s22+$0x0], $0xffff  }
0x72: {  	v5 =	vadd.s32 s26, v1;
	_ =	sdelay $0x3  }
0x73: {  	[tilespmem:s30+$0xFFFFFFF0] =	vst v4  }
0x74: {  	v4 =	vld.idx.msk [tilespmem:v5+s22+$0x0], $0xffff  }
0x75: {  	v5 =	vadd.s32 s26, v0;
	_ =	sdelay $0x3  }
0x76: {  	[tilespmem:s30+$0x0] =	vst v4  }
0x77: {  	v4 =	vld.idx.msk [tilespmem:v5+s22+$0x0], $0xffff;
	_ =	sdelay $0x4  }
0x78: {  	s31 =	simm.s32 $0x0;
	[tilespmem:s30+$0x10] =	vst v4  }
0x79: {  	[hbm4b:s7+s31] =	stream.linear.scatter [tilespmem:s23], [sflag:$0x1], $0x1000, $0x38;
	[tilespmem:$0x9080] =	vst v63  }
0x7a: {  	_ =	swait.ge [sflag:s21], $0x1000  }
0x7b: {  	[sflag:s21] =	ssyncset.done $0x0  }
0x7c: {  	v4 =	vadd.s32 s31, v3;
	[sflag:s21] =	ssyncadd.s32 $0xFFFFF000  }
0x7d: {  	[tilespmem:s22], [sflag:$0x1] =	stream.linear.gather [hbm4b:s8+s31], $0x8000, $0x38;
	[tilespmem:$0x9080] =	vst v63  }
0x7e: {  	_ =	swait.ge [sflag:s21], $0x8000  }
0x7f: {  	[sflag:s21] =	ssyncset.done $0x0  }
0x80: {  	[sflag:s21] =	ssyncadd.s32 $0xFFFF8000  }
0x81: {  	v4 =	vld.idx.msk [tilespmem:v4+s22+$0x0], $0xffff  }
0x82: {  	v5 =	vadd.s32 s31, v2;
	_ =	sdelay $0x2  }
0x83: {  	s25 =	simm.s32 $0x80A0  }
0x84: {  	[tilespmem:s25+$0xFFFFFFE0] =	vst v4  }
0x85: {  	v4 =	vld.idx.msk [tilespmem:v5+s22+$0x0], $0xffff  }
0x86: {  	v5 =	vadd.s32 s31, v1;
	_ =	sdelay $0x3  }
0x87: {  	[tilespmem:s25+$0xFFFFFFF0] =	vst v4  }
0x88: {  	v4 =	vld.idx.msk [tilespmem:v5+s22+$0x0], $0xffff  }
0x89: {  	v5 =	vadd.s32 s31, v0;
	_ =	sdelay $0x3  }
0x8a: {  	[tilespmem:s25+$0x0] =	vst v4  }
0x8b: {  	s26 =	simm.s32 $0x200;
	v4 =	vld.idx.msk [tilespmem:v5+s22+$0x0], $0xffff  }
0x8c: {  	s28 =	simm.s32 $0x400;
	v5 =	vadd.s32 s26, v3  }
.LBB2_6:
0x8d: {  	p0 =	sne.s32 s28, $0x7E00;
	_ =	sdelay $0x2  }
0x8e: {  	[tilespmem:s25+$0x10] =	vst v4  }
0x8f: {  	v4 =	vld.idx.msk [tilespmem:v5+s22+$0x0], $0xffff;
	_ =	sdelay $0x1  }
0x90: {  	v5 =	vadd.s32 s26, v2;
	_ =	sdelay $0x2  }
0x91: {  	s25 =	sadd.s32 $0x40, s25  }
0x92: {  	[tilespmem:s25+$0xFFFFFFE0] =	vst v4  }
0x93: {  	v4 =	vld.idx.msk [tilespmem:v5+s22+$0x0], $0xffff;
	_ =	sdelay $0x1  }
0x94: {  	v5 =	vadd.s32 s26, v1;
	_ =	sdelay $0x3  }
0x95: {  	[tilespmem:s25+$0xFFFFFFF0] =	vst v4  }
0x96: {  	v4 =	vld.idx.msk [tilespmem:v5+s22+$0x0], $0xffff;
	_ =	sdelay $0x1  }
0x97: {  	v5 =	vadd.s32 s26, v0;
	s26 =	smov.u32 s28;
	_ =	sdelay $0x2  }
.Ltmp2:
0x98: {  	(pc) =	sbr.rel @p0 .LBB2_6-.Ltmp2, $3  }
0x99: {  	[tilespmem:s25+$0x0] =	vst v4  }
0x9a: {  	v4 =	vld.idx.msk [tilespmem:v5+s22+$0x0], $0xffff;
	_ =	sdelay $0x1  }
0x9b: {  	s28 =	sadd.s32 $0x200, s28;
	v5 =	vadd.s32 s26, v3  }
0x9c: {  	_ =	sdelay $0x2  }
0x9d: {  	[tilespmem:s25+$0x10] =	vst v4  }
0x9e: {  	v4 =	vld.idx.msk [tilespmem:v5+s22+$0x0], $0xffff  }
0x9f: {  	v5 =	vadd.s32 s26, v2;
	_ =	sdelay $0x2  }
0xa0: {  	s30 =	sadd.s32 $0x40, s25  }
0xa1: {  	[tilespmem:s30+$0xFFFFFFE0] =	vst v4  }
0xa2: {  	v4 =	vld.idx.msk [tilespmem:v5+s22+$0x0], $0xffff  }
0xa3: {  	v5 =	vadd.s32 s26, v1;
	_ =	sdelay $0x3  }
0xa4: {  	[tilespmem:s30+$0xFFFFFFF0] =	vst v4  }
0xa5: {  	v4 =	vld.idx.msk [tilespmem:v5+s22+$0x0], $0xffff  }
0xa6: {  	v5 =	vadd.s32 s26, v0;
	_ =	sdelay $0x3  }
0xa7: {  	[tilespmem:s30+$0x0] =	vst v4  }
0xa8: {  	v4 =	vld.idx.msk [tilespmem:v5+s22+$0x0], $0xffff;
	_ =	sdelay $0x4  }
0xa9: {  	s31 =	simm.s32 $0x0;
	[tilespmem:s30+$0x10] =	vst v4  }
0xaa: {  	[hbm4b:s9+s31] =	stream.linear.scatter [tilespmem:s23], [sflag:$0x1], $0x1000, $0x38;
	[tilespmem:$0x9080] =	vst v63  }
0xab: {  	_ =	swait.ge [sflag:s21], $0x1000  }
0xac: {  	[sflag:s21] =	ssyncset.done $0x0  }
0xad: {  	v4 =	vadd.s32 s31, v3;
	[sflag:s21] =	ssyncadd.s32 $0xFFFFF000  }
0xae: {  	[tilespmem:s22], [sflag:$0x1] =	stream.linear.gather [hbm4b:s10+s31], $0x8000, $0x38;
	[tilespmem:$0x9080] =	vst v63  }
0xaf: {  	_ =	swait.ge [sflag:s21], $0x8000  }
0xb0: {  	[sflag:s21] =	ssyncset.done $0x0  }
0xb1: {  	[sflag:s21] =	ssyncadd.s32 $0xFFFF8000  }
0xb2: {  	v4 =	vld.idx.msk [tilespmem:v4+s22+$0x0], $0xffff  }
0xb3: {  	v5 =	vadd.s32 s31, v2;
	_ =	sdelay $0x2  }
0xb4: {  	s25 =	simm.s32 $0x80A0  }
0xb5: {  	[tilespmem:s25+$0xFFFFFFE0] =	vst v4  }
0xb6: {  	v4 =	vld.idx.msk [tilespmem:v5+s22+$0x0], $0xffff  }
0xb7: {  	v5 =	vadd.s32 s31, v1;
	_ =	sdelay $0x3  }
0xb8: {  	[tilespmem:s25+$0xFFFFFFF0] =	vst v4  }
0xb9: {  	v4 =	vld.idx.msk [tilespmem:v5+s22+$0x0], $0xffff  }
0xba: {  	v5 =	vadd.s32 s31, v0;
	_ =	sdelay $0x3  }
0xbb: {  	[tilespmem:s25+$0x0] =	vst v4  }
0xbc: {  	s26 =	simm.s32 $0x200;
	v4 =	vld.idx.msk [tilespmem:v5+s22+$0x0], $0xffff  }
0xbd: {  	s28 =	simm.s32 $0x400;
	v5 =	vadd.s32 s26, v3  }
.LBB2_8:
0xbe: {  	p0 =	sne.s32 s28, $0x7E00;
	_ =	sdelay $0x2  }
0xbf: {  	[tilespmem:s25+$0x10] =	vst v4  }
0xc0: {  	v4 =	vld.idx.msk [tilespmem:v5+s22+$0x0], $0xffff;
	_ =	sdelay $0x1  }
0xc1: {  	v5 =	vadd.s32 s26, v2;
	_ =	sdelay $0x2  }
0xc2: {  	s25 =	sadd.s32 $0x40, s25  }
0xc3: {  	[tilespmem:s25+$0xFFFFFFE0] =	vst v4  }
0xc4: {  	v4 =	vld.idx.msk [tilespmem:v5+s22+$0x0], $0xffff;
	_ =	sdelay $0x1  }
0xc5: {  	v5 =	vadd.s32 s26, v1;
	_ =	sdelay $0x3  }
0xc6: {  	[tilespmem:s25+$0xFFFFFFF0] =	vst v4  }
0xc7: {  	v4 =	vld.idx.msk [tilespmem:v5+s22+$0x0], $0xffff;
	_ =	sdelay $0x1  }
0xc8: {  	v5 =	vadd.s32 s26, v0;
	s26 =	smov.u32 s28;
	_ =	sdelay $0x2  }
.Ltmp3:
0xc9: {  	(pc) =	sbr.rel @p0 .LBB2_8-.Ltmp3, $3  }
0xca: {  	[tilespmem:s25+$0x0] =	vst v4  }
0xcb: {  	v4 =	vld.idx.msk [tilespmem:v5+s22+$0x0], $0xffff;
	_ =	sdelay $0x1  }
0xcc: {  	s28 =	sadd.s32 $0x200, s28;
	v5 =	vadd.s32 s26, v3  }
0xcd: {  	_ =	sdelay $0x2  }
0xce: {  	[tilespmem:s25+$0x10] =	vst v4  }
0xcf: {  	v4 =	vld.idx.msk [tilespmem:v5+s22+$0x0], $0xffff  }
0xd0: {  	v5 =	vadd.s32 s26, v2;
	_ =	sdelay $0x2  }
0xd1: {  	s30 =	sadd.s32 $0x40, s25  }
0xd2: {  	[tilespmem:s30+$0xFFFFFFE0] =	vst v4  }
0xd3: {  	v4 =	vld.idx.msk [tilespmem:v5+s22+$0x0], $0xffff  }
0xd4: {  	v5 =	vadd.s32 s26, v1;
	_ =	sdelay $0x3  }
0xd5: {  	[tilespmem:s30+$0xFFFFFFF0] =	vst v4  }
0xd6: {  	v4 =	vld.idx.msk [tilespmem:v5+s22+$0x0], $0xffff  }
0xd7: {  	v5 =	vadd.s32 s26, v0;
	_ =	sdelay $0x3  }
0xd8: {  	[tilespmem:s30+$0x0] =	vst v4  }
0xd9: {  	v4 =	vld.idx.msk [tilespmem:v5+s22+$0x0], $0xffff;
	_ =	sdelay $0x4  }
0xda: {  	s31 =	simm.s32 $0x0;
	[tilespmem:s30+$0x10] =	vst v4  }
0xdb: {  	[hbm4b:s11+s31] =	stream.linear.scatter [tilespmem:s23], [sflag:$0x1], $0x1000, $0x38;
	[tilespmem:$0x9080] =	vst v63  }
0xdc: {  	_ =	swait.ge [sflag:s21], $0x1000  }
0xdd: {  	[sflag:s21] =	ssyncset.done $0x0  }
0xde: {  	v4 =	vadd.s32 s31, v3;
	[sflag:s21] =	ssyncadd.s32 $0xFFFFF000  }
0xdf: {  	[tilespmem:s22], [sflag:$0x1] =	stream.linear.gather [hbm4b:s12+s31], $0x8000, $0x38;
	[tilespmem:$0x9080] =	vst v63  }
0xe0: {  	_ =	swait.ge [sflag:s21], $0x8000  }
0xe1: {  	[sflag:s21] =	ssyncset.done $0x0  }
0xe2: {  	[sflag:s21] =	ssyncadd.s32 $0xFFFF8000  }
0xe3: {  	v4 =	vld.idx.msk [tilespmem:v4+s22+$0x0], $0xffff  }
0xe4: {  	v5 =	vadd.s32 s31, v2;
	_ =	sdelay $0x2  }
0xe5: {  	s25 =	simm.s32 $0x80A0  }
0xe6: {  	[tilespmem:s25+$0xFFFFFFE0] =	vst v4  }
0xe7: {  	v4 =	vld.idx.msk [tilespmem:v5+s22+$0x0], $0xffff  }
0xe8: {  	v5 =	vadd.s32 s31, v1;
	_ =	sdelay $0x3  }
0xe9: {  	[tilespmem:s25+$0xFFFFFFF0] =	vst v4  }
0xea: {  	v4 =	vld.idx.msk [tilespmem:v5+s22+$0x0], $0xffff  }
0xeb: {  	v5 =	vadd.s32 s31, v0;
	_ =	sdelay $0x3  }
0xec: {  	[tilespmem:s25+$0x0] =	vst v4  }
0xed: {  	s26 =	simm.s32 $0x200;
	v4 =	vld.idx.msk [tilespmem:v5+s22+$0x0], $0xffff  }
0xee: {  	s28 =	simm.s32 $0x400;
	v5 =	vadd.s32 s26, v3  }
.LBB2_10:
0xef: {  	p0 =	sne.s32 s28, $0x7E00;
	_ =	sdelay $0x2  }
0xf0: {  	[tilespmem:s25+$0x10] =	vst v4  }
0xf1: {  	v4 =	vld.idx.msk [tilespmem:v5+s22+$0x0], $0xffff;
	_ =	sdelay $0x1  }
0xf2: {  	v5 =	vadd.s32 s26, v2;
	_ =	sdelay $0x2  }
0xf3: {  	s25 =	sadd.s32 $0x40, s25  }
0xf4: {  	[tilespmem:s25+$0xFFFFFFE0] =	vst v4  }
0xf5: {  	v4 =	vld.idx.msk [tilespmem:v5+s22+$0x0], $0xffff;
	_ =	sdelay $0x1  }
0xf6: {  	v5 =	vadd.s32 s26, v1;
	_ =	sdelay $0x3  }
0xf7: {  	[tilespmem:s25+$0xFFFFFFF0] =	vst v4  }
0xf8: {  	v4 =	vld.idx.msk [tilespmem:v5+s22+$0x0], $0xffff;
	_ =	sdelay $0x1  }
0xf9: {  	v5 =	vadd.s32 s26, v0;
	s26 =	smov.u32 s28;
	_ =	sdelay $0x2  }
.Ltmp4:
0xfa: {  	(pc) =	sbr.rel @p0 .LBB2_10-.Ltmp4, $3  }
0xfb: {  	[tilespmem:s25+$0x0] =	vst v4  }
0xfc: {  	v4 =	vld.idx.msk [tilespmem:v5+s22+$0x0], $0xffff;
	_ =	sdelay $0x1  }
0xfd: {  	s28 =	sadd.s32 $0x200, s28;
	v5 =	vadd.s32 s26, v3  }
0xfe: {  	_ =	sdelay $0x2  }
0xff: {  	[tilespmem:s25+$0x10] =	vst v4  }
0x100: {  	v4 =	vld.idx.msk [tilespmem:v5+s22+$0x0], $0xffff  }
0x101: {  	v5 =	vadd.s32 s26, v2;
	_ =	sdelay $0x2  }
0x102: {  	s30 =	sadd.s32 $0x40, s25  }
0x103: {  	[tilespmem:s30+$0xFFFFFFE0] =	vst v4  }
0x104: {  	v4 =	vld.idx.msk [tilespmem:v5+s22+$0x0], $0xffff  }
0x105: {  	v5 =	vadd.s32 s26, v1;
	_ =	sdelay $0x3  }
0x106: {  	[tilespmem:s30+$0xFFFFFFF0] =	vst v4  }
0x107: {  	v4 =	vld.idx.msk [tilespmem:v5+s22+$0x0], $0xffff  }
0x108: {  	v5 =	vadd.s32 s26, v0;
	_ =	sdelay $0x3  }
0x109: {  	[tilespmem:s30+$0x0] =	vst v4  }
0x10a: {  	v4 =	vld.idx.msk [tilespmem:v5+s22+$0x0], $0xffff;
	_ =	sdelay $0x4  }
0x10b: {  	s31 =	simm.s32 $0x0;
	[tilespmem:s30+$0x10] =	vst v4  }
0x10c: {  	[hbm4b:s13+s31] =	stream.linear.scatter [tilespmem:s23], [sflag:$0x1], $0x1000, $0x38;
	[tilespmem:$0x9080] =	vst v63  }
0x10d: {  	_ =	swait.ge [sflag:s21], $0x1000  }
0x10e: {  	[sflag:s21] =	ssyncset.done $0x0  }
0x10f: {  	v4 =	vadd.s32 s31, v3;
	[sflag:s21] =	ssyncadd.s32 $0xFFFFF000  }
0x110: {  	[tilespmem:s22], [sflag:$0x1] =	stream.linear.gather [hbm4b:s14+s31], $0x8000, $0x38;
	[tilespmem:$0x9080] =	vst v63  }
0x111: {  	_ =	swait.ge [sflag:s21], $0x8000  }
0x112: {  	[sflag:s21] =	ssyncset.done $0x0  }
0x113: {  	[sflag:s21] =	ssyncadd.s32 $0xFFFF8000  }
0x114: {  	v4 =	vld.idx.msk [tilespmem:v4+s22+$0x0], $0xffff  }
0x115: {  	v5 =	vadd.s32 s31, v2;
	_ =	sdelay $0x2  }
0x116: {  	s25 =	simm.s32 $0x80A0  }
0x117: {  	[tilespmem:s25+$0xFFFFFFE0] =	vst v4  }
0x118: {  	v4 =	vld.idx.msk [tilespmem:v5+s22+$0x0], $0xffff  }
0x119: {  	v5 =	vadd.s32 s31, v1;
	_ =	sdelay $0x3  }
0x11a: {  	[tilespmem:s25+$0xFFFFFFF0] =	vst v4  }
0x11b: {  	v4 =	vld.idx.msk [tilespmem:v5+s22+$0x0], $0xffff  }
0x11c: {  	v5 =	vadd.s32 s31, v0;
	_ =	sdelay $0x3  }
0x11d: {  	[tilespmem:s25+$0x0] =	vst v4  }
0x11e: {  	s26 =	simm.s32 $0x200;
	v4 =	vld.idx.msk [tilespmem:v5+s22+$0x0], $0xffff  }
0x11f: {  	s28 =	simm.s32 $0x400;
	v5 =	vadd.s32 s26, v3  }
.LBB2_12:
0x120: {  	p0 =	sne.s32 s28, $0x7E00;
	_ =	sdelay $0x2  }
0x121: {  	[tilespmem:s25+$0x10] =	vst v4  }
0x122: {  	v4 =	vld.idx.msk [tilespmem:v5+s22+$0x0], $0xffff;
	_ =	sdelay $0x1  }
0x123: {  	v5 =	vadd.s32 s26, v2;
	_ =	sdelay $0x2  }
0x124: {  	s25 =	sadd.s32 $0x40, s25  }
0x125: {  	[tilespmem:s25+$0xFFFFFFE0] =	vst v4  }
0x126: {  	v4 =	vld.idx.msk [tilespmem:v5+s22+$0x0], $0xffff;
	_ =	sdelay $0x1  }
0x127: {  	v5 =	vadd.s32 s26, v1;
	_ =	sdelay $0x3  }
0x128: {  	[tilespmem:s25+$0xFFFFFFF0] =	vst v4  }
0x129: {  	v4 =	vld.idx.msk [tilespmem:v5+s22+$0x0], $0xffff;
	_ =	sdelay $0x1  }
0x12a: {  	v5 =	vadd.s32 s26, v0;
	s26 =	smov.u32 s28;
	_ =	sdelay $0x2  }
.Ltmp5:
0x12b: {  	(pc) =	sbr.rel @p0 .LBB2_12-.Ltmp5, $3  }
0x12c: {  	[tilespmem:s25+$0x0] =	vst v4  }
0x12d: {  	v4 =	vld.idx.msk [tilespmem:v5+s22+$0x0], $0xffff;
	_ =	sdelay $0x1  }
0x12e: {  	s28 =	sadd.s32 $0x200, s28;
	v5 =	vadd.s32 s26, v3  }
0x12f: {  	_ =	sdelay $0x2  }
0x130: {  	[tilespmem:s25+$0x10] =	vst v4  }
0x131: {  	v4 =	vld.idx.msk [tilespmem:v5+s22+$0x0], $0xffff  }
0x132: {  	v5 =	vadd.s32 s26, v2;
	_ =	sdelay $0x2  }
0x133: {  	s30 =	sadd.s32 $0x40, s25  }
0x134: {  	[tilespmem:s30+$0xFFFFFFE0] =	vst v4  }
0x135: {  	v4 =	vld.idx.msk [tilespmem:v5+s22+$0x0], $0xffff  }
0x136: {  	v5 =	vadd.s32 s26, v1;
	_ =	sdelay $0x3  }
0x137: {  	[tilespmem:s30+$0xFFFFFFF0] =	vst v4  }
0x138: {  	v4 =	vld.idx.msk [tilespmem:v5+s22+$0x0], $0xffff  }
0x139: {  	v5 =	vadd.s32 s26, v0;
	_ =	sdelay $0x3  }
0x13a: {  	[tilespmem:s30+$0x0] =	vst v4  }
0x13b: {  	v4 =	vld.idx.msk [tilespmem:v5+s22+$0x0], $0xffff;
	_ =	sdelay $0x4  }
0x13c: {  	s31 =	simm.s32 $0x0;
	[tilespmem:s30+$0x10] =	vst v4  }
0x13d: {  	[hbm4b:s15+s31] =	stream.linear.scatter [tilespmem:s23], [sflag:$0x1], $0x1000, $0x38;
	[tilespmem:$0x9080] =	vst v63  }
0x13e: {  	_ =	swait.ge [sflag:s21], $0x1000  }
0x13f: {  	[sflag:s21] =	ssyncset.done $0x0  }
0x140: {  	v4 =	vadd.s32 s31, v3;
	[sflag:s21] =	ssyncadd.s32 $0xFFFFF000  }
0x141: {  	[tilespmem:s22], [sflag:$0x1] =	stream.linear.gather [hbm4b:s16+s31], $0x8000, $0x38;
	[tilespmem:$0x9080] =	vst v63  }
0x142: {  	_ =	swait.ge [sflag:s21], $0x8000  }
0x143: {  	[sflag:s21] =	ssyncset.done $0x0  }
0x144: {  	[sflag:s21] =	ssyncadd.s32 $0xFFFF8000  }
0x145: {  	v4 =	vld.idx.msk [tilespmem:v4+s22+$0x0], $0xffff  }
0x146: {  	v5 =	vadd.s32 s31, v2;
	_ =	sdelay $0x2  }
0x147: {  	s25 =	simm.s32 $0x80A0  }
0x148: {  	[tilespmem:s25+$0xFFFFFFE0] =	vst v4  }
0x149: {  	v4 =	vld.idx.msk [tilespmem:v5+s22+$0x0], $0xffff  }
0x14a: {  	v5 =	vadd.s32 s31, v1;
	_ =	sdelay $0x3  }
0x14b: {  	[tilespmem:s25+$0xFFFFFFF0] =	vst v4  }
0x14c: {  	v4 =	vld.idx.msk [tilespmem:v5+s22+$0x0], $0xffff  }
0x14d: {  	v5 =	vadd.s32 s31, v0;
	_ =	sdelay $0x3  }
0x14e: {  	[tilespmem:s25+$0x0] =	vst v4  }
0x14f: {  	s26 =	simm.s32 $0x200;
	v4 =	vld.idx.msk [tilespmem:v5+s22+$0x0], $0xffff  }
0x150: {  	s28 =	simm.s32 $0x400;
	v5 =	vadd.s32 s26, v3  }
.LBB2_14:
0x151: {  	p0 =	sne.s32 s28, $0x7E00;
	_ =	sdelay $0x2  }
0x152: {  	[tilespmem:s25+$0x10] =	vst v4  }
0x153: {  	v4 =	vld.idx.msk [tilespmem:v5+s22+$0x0], $0xffff;
	_ =	sdelay $0x1  }
0x154: {  	v5 =	vadd.s32 s26, v2;
	_ =	sdelay $0x2  }
0x155: {  	s25 =	sadd.s32 $0x40, s25  }
0x156: {  	[tilespmem:s25+$0xFFFFFFE0] =	vst v4  }
0x157: {  	v4 =	vld.idx.msk [tilespmem:v5+s22+$0x0], $0xffff;
	_ =	sdelay $0x1  }
0x158: {  	v5 =	vadd.s32 s26, v1;
	_ =	sdelay $0x3  }
0x159: {  	[tilespmem:s25+$0xFFFFFFF0] =	vst v4  }
0x15a: {  	v4 =	vld.idx.msk [tilespmem:v5+s22+$0x0], $0xffff;
	_ =	sdelay $0x1  }
0x15b: {  	v5 =	vadd.s32 s26, v0;
	s26 =	smov.u32 s28;
	_ =	sdelay $0x2  }
.Ltmp6:
0x15c: {  	(pc) =	sbr.rel @p0 .LBB2_14-.Ltmp6, $3  }
0x15d: {  	[tilespmem:s25+$0x0] =	vst v4  }
0x15e: {  	v4 =	vld.idx.msk [tilespmem:v5+s22+$0x0], $0xffff;
	_ =	sdelay $0x1  }
0x15f: {  	s28 =	sadd.s32 $0x200, s28;
	v5 =	vadd.s32 s26, v3  }
0x160: {  	_ =	sdelay $0x2  }
0x161: {  	[tilespmem:s25+$0x10] =	vst v4  }
0x162: {  	v4 =	vld.idx.msk [tilespmem:v5+s22+$0x0], $0xffff  }
0x163: {  	v5 =	vadd.s32 s26, v2;
	_ =	sdelay $0x2  }
0x164: {  	s30 =	sadd.s32 $0x40, s25  }
0x165: {  	[tilespmem:s30+$0xFFFFFFE0] =	vst v4  }
0x166: {  	v4 =	vld.idx.msk [tilespmem:v5+s22+$0x0], $0xffff  }
0x167: {  	v5 =	vadd.s32 s26, v1;
	_ =	sdelay $0x3  }
0x168: {  	[tilespmem:s30+$0xFFFFFFF0] =	vst v4  }
0x169: {  	v4 =	vld.idx.msk [tilespmem:v5+s22+$0x0], $0xffff  }
0x16a: {  	v5 =	vadd.s32 s26, v0;
	_ =	sdelay $0x3  }
0x16b: {  	[tilespmem:s30+$0x0] =	vst v4  }
0x16c: {  	v4 =	vld.idx.msk [tilespmem:v5+s22+$0x0], $0xffff;
	_ =	sdelay $0x4  }
0x16d: {  	s31 =	simm.s32 $0x0;
	[tilespmem:s30+$0x10] =	vst v4  }
0x16e: {  	[hbm4b:s17+s31] =	stream.linear.scatter [tilespmem:s23], [sflag:$0x1], $0x1000, $0x38;
	[tilespmem:$0x9080] =	vst v63  }
0x16f: {  	_ =	swait.ge [sflag:s21], $0x1000  }
0x170: {  	[sflag:s21] =	ssyncset.done $0x0  }
0x171: {  	v4 =	vadd.s32 s31, v3;
	[sflag:s21] =	ssyncadd.s32 $0xFFFFF000  }
0x172: {  	[tilespmem:s22], [sflag:$0x1] =	stream.linear.gather [hbm4b:s18+s31], $0x8000, $0x38;
	[tilespmem:$0x9080] =	vst v63  }
0x173: {  	_ =	swait.ge [sflag:s21], $0x8000  }
0x174: {  	[sflag:s21] =	ssyncset.done $0x0  }
0x175: {  	[sflag:s21] =	ssyncadd.s32 $0xFFFF8000  }
0x176: {  	v4 =	vld.idx.msk [tilespmem:v4+s22+$0x0], $0xffff  }
0x177: {  	v5 =	vadd.s32 s31, v2;
	_ =	sdelay $0x2  }
0x178: {  	s25 =	simm.s32 $0x80A0  }
0x179: {  	[tilespmem:s25+$0xFFFFFFE0] =	vst v4  }
0x17a: {  	v4 =	vld.idx.msk [tilespmem:v5+s22+$0x0], $0xffff  }
0x17b: {  	v5 =	vadd.s32 s31, v1;
	_ =	sdelay $0x3  }
0x17c: {  	[tilespmem:s25+$0xFFFFFFF0] =	vst v4  }
0x17d: {  	v4 =	vld.idx.msk [tilespmem:v5+s22+$0x0], $0xffff  }
0x17e: {  	v5 =	vadd.s32 s31, v0;
	_ =	sdelay $0x3  }
0x17f: {  	[tilespmem:s25+$0x0] =	vst v4  }
0x180: {  	s26 =	simm.s32 $0x200;
	v4 =	vld.idx.msk [tilespmem:v5+s22+$0x0], $0xffff  }
0x181: {  	s28 =	simm.s32 $0x400;
	v5 =	vadd.s32 s26, v3  }
.LBB2_16:
0x182: {  	p0 =	sne.s32 s28, $0x7E00;
	_ =	sdelay $0x2  }
0x183: {  	[tilespmem:s25+$0x10] =	vst v4  }
0x184: {  	v4 =	vld.idx.msk [tilespmem:v5+s22+$0x0], $0xffff;
	_ =	sdelay $0x1  }
0x185: {  	v5 =	vadd.s32 s26, v2;
	_ =	sdelay $0x2  }
0x186: {  	s25 =	sadd.s32 $0x40, s25  }
0x187: {  	[tilespmem:s25+$0xFFFFFFE0] =	vst v4  }
0x188: {  	v4 =	vld.idx.msk [tilespmem:v5+s22+$0x0], $0xffff;
	_ =	sdelay $0x1  }
0x189: {  	v5 =	vadd.s32 s26, v1;
	_ =	sdelay $0x3  }
0x18a: {  	[tilespmem:s25+$0xFFFFFFF0] =	vst v4  }
0x18b: {  	v4 =	vld.idx.msk [tilespmem:v5+s22+$0x0], $0xffff;
	_ =	sdelay $0x1  }
0x18c: {  	v5 =	vadd.s32 s26, v0;
	s26 =	smov.u32 s28;
	_ =	sdelay $0x2  }
.Ltmp7:
0x18d: {  	(pc) =	sbr.rel @p0 .LBB2_16-.Ltmp7, $3  }
0x18e: {  	[tilespmem:s25+$0x0] =	vst v4  }
0x18f: {  	v4 =	vld.idx.msk [tilespmem:v5+s22+$0x0], $0xffff;
	_ =	sdelay $0x1  }
0x190: {  	s28 =	sadd.s32 $0x200, s28;
	v5 =	vadd.s32 s26, v3  }
0x191: {  	_ =	sdelay $0x2  }
0x192: {  	[tilespmem:s25+$0x10] =	vst v4  }
0x193: {  	v3 =	vld.idx.msk [tilespmem:v5+s22+$0x0], $0xffff  }
0x194: {  	v2 =	vadd.s32 s26, v2;
	_ =	sdelay $0x2  }
0x195: {  	s31 =	sadd.s32 $0x40, s25  }
0x196: {  	[tilespmem:s31+$0xFFFFFFE0] =	vst v3  }
0x197: {  	v2 =	vld.idx.msk [tilespmem:v2+s22+$0x0], $0xffff  }
0x198: {  	v1 =	vadd.s32 s26, v1;
	_ =	sdelay $0x3  }
0x199: {  	[tilespmem:s31+$0xFFFFFFF0] =	vst v2  }
0x19a: {  	v1 =	vld.idx.msk [tilespmem:v1+s22+$0x0], $0xffff  }
0x19b: {  	v0 =	vadd.s32 s26, v0;
	_ =	sdelay $0x3  }
0x19c: {  	[tilespmem:s31+$0x0] =	vst v1  }
0x19d: {  	v0 =	vld.idx.msk [tilespmem:v0+s22+$0x0], $0xffff;
	_ =	sdelay $0x2  }
0x19e: {  	s24 =	sadd.s32 $0x1, s24  }
0x19f: {  	p0 =	sne.s32 s24, s20  }
.Ltmp8:
0x1a0: {  	[tilespmem:s31+$0x10] =	vst v0;
	(pc) =	sbr.rel @p0 .LBB2_1-.Ltmp8, $4  }
0x1a1: {  	[hbm4b:s19+s3] =	stream.linear.scatter [tilespmem:s23], [sflag:$0x1], $0x1000, $0x38;
	[tilespmem:$0x9080] =	vst v63  }
0x1a2: {  	_ =	swait.ge [sflag:s21], $0x1000  }
0x1a3: {  	[sflag:s21] =	ssyncset.done $0x0  }
0x1a4: {  	[sflag:s21] =	ssyncadd.s32 $0xFFFFF000  }
0x1a5: {  	_ =	sfence.sel $0x180000  }
0x1a6: {  	[bflag:$0x0] =	sbarrier.arrive $0xFFFF  }
0x1a7: {  	p0 =	sne.s32 s2, $0x0;
	_ =	strace $0x9000004A  }
0x1a8: {  	s0 =	sadd.s32 @!p0 $0x100000, s0;
	[bflag:$0x2] =	sbarrier.arrive $0xFFFF  }
0x1a9: {  	[sflag:s0] =	ssyncadd.tile.s32 @!p0 $0x1;
	_ =	shalt  }
.Lfunc_end2:
_tile_overlayer_lowered:
.L_overlay_start_2:
0x1aa: {  	(tag) =	ssettag $0x2  }
0x1ab: {  	s0 =	rddreg [dreg:$0x0];
	s2 =	stileid.u32  }
0x1ac: {  	s1 =	rddreg [dreg:$0x1];
	p0 =	sne.s32 s2, $0x0  }
0x1ad: {  	s3 =	rddreg [dreg:$0x2];
	[bflag:$0x3] =	sbarrier.arrive $0xFFFF;
	s2 =	simm.s32 @!p0 $0x1C01  }
0x1ae: {  	[timem:s3], [sflag:s2] =	dma.local @!p0 [hbm:s0], s1  }
0x1af: {  	s0 =	simm.s32 @!p0 $0x1  }
0x1b0: {  	_ =	swait.ge @!p0 [sflag:s0], s1  }
0x1b1: {  	s1 =	ssub.s32 @!p0 $0x0, s1;
	[sflag:s0] =	ssyncset.done @!p0 $0x0  }
0x1b2: {  	[sflag:s0] =	ssyncadd.s32 @!p0 s1  }
0x1b3: {  	[bflag:$0x3] =	sbarrier.arrive $0xFFFF  }
0x1b4: {  	_ =	shalt  }

// kernel: sparse-core-data-format-call.cloned.1.call-start
scs
called_computation_lowered:
.L_overlay_start_0:
0x0: {  	s2 =	sld [smem:$0x3FD9]  }
0x1: {  	s3 =	sld [smem:$0x3FFE];
	_ =	sdelay $0x1  }
0x2: {  	s1 =	srdreg.scid  }
0x3: {  	s0 =	sand.u32 $0x1, s1  }
0x4: {  	s18 =	sshll.u32 s0, $0xA;
	s2 =	sadd.s32 s3, s2  }
0x5: {  	s2 =	sadd.s32 s2, s18  }
0x6: {  	[smem:$0x3FC6] =	sst s2  }
0x7: {  	_ = 	snop  }
0x8: {  	s2 =	sld [smem:$0x3FC9];
	(tm) =	ssettm $0x1  }
0x9: {  	s19 =	sld [smem:$0x3FFB];
	_ =	sdelay $0x3  }
0xa: {  	_ =	strace s19  }
0xb: {  	s3 =	sld [smem:$0x3FFC];
	_ =	sdelay $0x3  }
0xc: {  	_ =	strace s3  }
0xd: {  	s3 =	sld [smem:$0x3FFD];
	_ =	sdelay $0x3  }
0xe: {  	_ =	strace s3  }
0xf: {  	_ =	strace $0x8FFFFFFF  }
0x10: {  	s20 =	sld [smem:$0x3FDB];
	_ =	sdelay $0x1  }
0x11: {  	s4 =	simm.s32 $_scs_section_size  }
0x12: {  	s5 =	simm.s32 $_size__tile_overlayer_lowered;
	s6 =	simm.s32 $_tile_overlayer_lowered  }
0x13: {  	s23 =	simm.s32 $0x1BFF;
	s22 =	sshll.u32 s6, $0x1;
	s3 =	sadd.s32 s4, s20  }
0x14: {  	s7 =	simm.s32 $0x0;
	s21 =	sshll.u32 s5, $0x1;
	s5 =	sadd.s32 s22, s3  }
0x15: {  	[timem:s7], [sflag:s23] =	dma.local [hbm:s5], s21  }
0x16: {  	_ =	swait.ge [sflag:s23], s21  }
0x17: {  	s4 =	ssub.s32 $0x0, s21;
	[sflag:s23] =	ssyncset.done $0x0  }
0x18: {  	[sflag:s23] =	ssyncadd.s32 s4;
	_ =	sdelay $0x1  }
0x19: {  	s24 =	simm.s32 $0x1B8B  }
0x1a: {  	_ =	swait.ge [sflag:s24], $0x1  }
0x1b: {  	[sflag:s24] =	ssyncset.done $0x0  }
0x1c: {  	s26 =	simm.s32 $0x1B8E;
	s25 =	sld [smem:$0x3FFE];
	[sflag:s24] =	ssyncadd.s32 $0xFFFFFFFF  }
0x1d: {  	s27 =	simm.s32 $execute0_lowered;
	[smem:$0x3FD2] =	sst s26  }
0x1e: {  	s5 =	sshll.u32 s27, $0x1;
	_ =	strace $0x80000046;
	[dreg:$0x1] =	wrdreg $0xFFFFFFFF  }
0x1f: {  	s28 =	simm.s32 $_size_execute0_lowered;
	s3 =	sadd.s32 s3, s5;
	[dreg:$0x0] =	wrdreg $0x0  }
0x20: {  	s5 =	sshll.u32 s28, $0x1;
	[dreg:$0x2] =	wrdreg s3  }
0x21: {  	[dreg:$0x3] =	wrdreg s5  }
0x22: {  	[dreg:$0x4] =	wrdreg $0xC0  }
0x23: {  	_ =	task [dreg:s7], $0x5FFFF  }
0x24: {  	[dreg:$0x1] =	wrdreg $0xFFFFFFFF  }
0x25: {  	[dreg:$0x0] =	wrdreg $0x60  }
0x26: {  	[dreg:$0x2] =	wrdreg s2  }
0x27: {  	[dreg:$0x3] =	wrdreg s25  }
0x28: {  	[dreg:$0x4] =	wrdreg $0x9  }
0x29: {  	_ =	task.clear_ibuf [dreg:s7], $0x5FFFF;
	_ =	strace $0x90000046  }
0x2a: {  	s29 =	simm.s32 $0x9;
	_ =	strace $0x80000048  }
0x2b: {  	_ =	swait.ge [sflag:s29], $0x1  }
0x2c: {  	[sflag:s29] =	ssyncadd.s32 $0xFFFFFFFF  }
0x2d: {  	_ =	strace $0x90000048  }
0x2e: {  	_ =	sfence  }
0x2f: {  	s30 =	sld [smem:$0x0];
	_ =	sdelay $0x2  }
0x30: {  	s31 =	sshll.u32 s1, $0xD;
	s1 =	sshrl.u32 s1, $0x2  }
0x31: {  	s3 =	sand.u32 $0x4000, s31;
	s1 =	sadd.s32 s1, s30  }
0x32: {  	s0 =	sor.u32 s3, s0;
	s1 =	sshll.u32 s1, $0x11  }
0x33: {  	s0 =	sor.u32 s1, s0  }
0x34: {  	s0 =	sadd.s32 $0x8F2B, s0  }
0x35: {  	[sflag:s0] =	ssyncadd.remote.s32 $0x1  }
0x36: {  	_ =	sfence.sel $0xFFFF  }
0x37: {  	[dreg:$0x0] =	wrdreg $0xFFFFFFFF;
	(pc) =	sbr.abs _section_cstart, $3  }
0x38: {  	[dreg:$0x1] =	wrdreg $0xFFFFFFFF  }
0x39: {  	_ =	task.clear_ibuf [dreg:s7], $0x2FFFF;
	_ =	strace $0x9FFFFFFF  }
0x3a: {  	(tm) =	ssettm $0x7FFFFFFF  }
0x3b: {  	_ =	shalt  }
tec
execute0_lowered:
.L_overlay_start_1:
0x0: {  	(tag) =	ssettag $0x1  }
0x1: {  	s0 =	srdreg.scid  }
0x2: {  	s1 =	sshll.u32 s0, $0x4  }
0x3: {  	s2 =	rddreg [dreg:$0x0];
	s0 =	stileid.u32;
	s1 =	sand.u32 $0x10, s1  }
0x4: {  	s4 =	rddreg [dreg:$0x1];
	s7 =	simm.s32 $0x1;
	s1 =	sor.u32 s0, s1  }
0x5: {  	s8 =	simm.s32 $0x2;
	s9 =	simm.s32 $0x0;
	s3 =	sshll.u32 s1, $0x2  }
0x6: {  	s12 =	simm.s32 $0x0;
	s11 =	simm.s32 $0x0;
	s6 =	ssub.s32 $0x800, s3  }
.Ltmp0:
0x7: {  	s4 =	sadd.s32 $0x800, s4;
	s5 =	sand.u32 $0x7C, s6;
	(pc) =	sbr.rel .LBB1_1-.Ltmp0, $4  }
0x8: {  	s1 =	rddreg [dreg:$0x2];
	_ =	strace $0x80000047;
	p0 =	sne.s32 s5, $0x0  }
0x9: {  	s6 =	sshrl.u32 s6, $0x7;
	s5 =	simm.s32 $0x1;
	s7 =	simm.s32 @!p0 $0x0  }
0xa: {  	s10 =	smov.u32 s3;
	[sflag:s5] =	ssyncpa.u1 $0x0;
	s6 =	sadd.s32 s7, s6  }
0xb: {  	[sflag:s8] =	ssyncpa.u1 $0x0;
	s8 =	simm.s32 $0x0;
	s7 =	sadd.s32 $0x1, s6  }
.LBB1_9:
0xc: {  	s14 =	sadd.s32 $0x80, s10  }
0xd: {  	p1 =	sgt.s32 s14, $0x7FF  }
0xe: {  	s14 =	smov.u32 @p1 s3;
	p1 =	sne.s32 s11, s7  }
.Ltmp1:
0xf: {  	p0 =	slt.u32 s11, $0x2;
	(pc) =	sbr.rel @!p1 .LBB1_10-.Ltmp1, $4  }
0x10: {  	s13 =	simm.s32 @!p0 $0x2  }
0x11: {  	s15 =	sadd.s32 $0x1, s11;
	_ =	swait.ge @!p0 [sflag:s13], $0x4000  }
0x12: {  	s12 =	smov.u32 s10;
	s9 =	sadd.s32 $0x4000, s9;
	[sflag:s13] =	ssyncset.done @!p0 $0x0  }
0x13: {  	s11 =	smov.u32 s15;
	s10 =	smov.u32 s14;
	[sflag:s13] =	ssyncadd.s32 @!p0 $0xFFFFC000  }
.LBB1_1:
0x14: {  	p0 =	sge.u32 s11, s6  }
0x15: {  	s13 =	sxor.u32 @!p0 $0xFFFFFFFF, s11  }
0x16: {  	s31 =	sadd.s32 $0xFFFFFFFF, s11;
	s14 =	sshll.u32 @!p0 s10, $0x9;
	s13 =	sshll.u32 @!p0 s13, $0xE  }
0x17: {  	s15 =	simm.s32 @!p0 $0x0;
	s14 =	sadd.s32 @!p0 s2, s14;
	s13 =	sand.u32 @!p0 $0x4000, s13  }
0x18: {  	[tilespmem:s13], [sflag:$0x1] =	stream.linear.gather @!p0 [hbm4b:s14+s15], $0x4000, $0x38;
	[tilespmem:$0x10000] =	vst v63  }
0x19: {  	p0 =	sge.u32 s31, s6  }
.Ltmp2:
0x1a: {  	_ = 	snop;
	(pc) =	sbr.rel @p0 .LBB1_9-.Ltmp2, $1  }
0x1b: {  	_ =	sdelay $0x3  }
0x1c: {  	s14 =	sand.u32 $0x4000, s9  }
0x1d: {  	_ =	swait.ge [sflag:s5], $0x4000;
	s15 =	sshll.u32 s11, $0xE;
	s16 =	simm.s32 $0x0  }
0x1e: {  	s13 =	sor.u32 $0x40, s14;
	[sflag:s5] =	ssyncset.done $0x0;
	s15 =	sand.u32 $0x4000, s15  }
0x1f: {  	s14 =	sor.u32 $0x8040, s14;
	[sflag:s5] =	ssyncadd.s32 $0xFFFFC000;
	s15 =	sor.u32 $0x8000, s15  }
.LBB1_3:
0x20: {  	s17 =	smov.u32 s14;
	s18 =	smov.u32 s13;
	s19 =	simm.s32 $0x0  }
.LBB1_4:
0x21: {  	v0 =	vmov s17;
	v2 =	vld [tilespmem:s18+$0x30]  }
0x22: {  	v4 =	vld [tilespmem:s18+$0xFFFFFFD0]  }
0x23: {  	v6 =	vld [tilespmem:s18+$0xFFFFFFE0]  }
0x24: {  	v7 =	vld [tilespmem:s18+$0xFFFFFFF0]  }
0x25: {  	s20 =	simm.s32 $0x0;
	v1 =	vld [tilespmem:s18+$0x0]  }
0x26: {  	v3 =	vld [tilespmem:s18+$0x10];
	[tilespmem:v0+s20+$0x30 ss:$0x1] =	vst.idx.msk $0xffff, v2  }
0x27: {  	v5 =	vld [tilespmem:s18+$0x20];
	[tilespmem:v0+s20+$0xFFFFFFD0 ss:$0x1] =	vst.idx.msk $0xffff, v4  }
0x28: {  	s21 =	sadd.s32 $0x80, s18;
	v2 =	vld [tilespmem:s18+$0xFFFFFFC0];
	[tilespmem:v0+s20+$0xFFFFFFE0 ss:$0x1] =	vst.idx.msk $0xffff, v6  }
0x29: {  	s22 =	simm.s32 $0x800;
	s23 =	simm.s32 $0x1000;
	v4 =	vld [tilespmem:s21+$0x30];
	[tilespmem:v0+s20+$0xFFFFFFF0 ss:$0x1] =	vst.idx.msk $0xffff, v7  }
.LBB1_5:
0x2a: {  	p0 =	sne.s32 s23, $0x3800;
	v6 =	vld [tilespmem:s21+$0xFFFFFFD0];
	[tilespmem:v0+s20+$0x0 ss:$0x1] =	vst.idx.msk $0xffff, v1  }
0x2b: {  	v7 =	vld [tilespmem:s21+$0xFFFFFFE0];
	[tilespmem:v0+s20+$0x10 ss:$0x1] =	vst.idx.msk $0xffff, v3  }
0x2c: {  	v8 =	vld [tilespmem:s21+$0xFFFFFFF0];
	[tilespmem:v0+s20+$0x20 ss:$0x1] =	vst.idx.msk $0xffff, v5  }
.Ltmp3:
0x2d: {  	v1 =	vld [tilespmem:s21+$0x0];
	[tilespmem:v0+s20+$0xFFFFFFC0 ss:$0x1] =	vst.idx.msk $0xffff, v2;
	s20 =	sshra.s32 s22, $0x2;
	s22 =	smov.u32 s23;
	(pc) =	sbr.rel @p0 .LBB1_5-.Ltmp3, $4  }
0x2e: {  	v3 =	vld [tilespmem:s21+$0x10];
	[tilespmem:v0+s20+$0x30 ss:$0x1] =	vst.idx.msk $0xffff, v4  }
0x2f: {  	[tilespmem:v0+s20+$0xFFFFFFD0 ss:$0x1] =	vst.idx.msk $0xffff, v6;
	v5 =	vld [tilespmem:s21+$0x20]  }
0x30: {  	v2 =	vld [tilespmem:s21+$0xFFFFFFC0];
	[tilespmem:v0+s20+$0xFFFFFFE0 ss:$0x1] =	vst.idx.msk $0xffff, v7;
	s21 =	sadd.s32 $0x80, s21  }
0x31: {  	s23 =	sadd.s32 $0x800, s23;
	v4 =	vld [tilespmem:s21+$0x30];
	[tilespmem:v0+s20+$0xFFFFFFF0 ss:$0x1] =	vst.idx.msk $0xffff, v8  }
0x32: {  	_ =	sdelay $0x3  }
0x33: {  	v6 =	vld [tilespmem:s21+$0xFFFFFFD0];
	[tilespmem:v0+s20+$0x0 ss:$0x1] =	vst.idx.msk $0xffff, v1  }
0x34: {  	v58 =	vld [tilespmem:s21+$0xFFFFFFE0];
	[tilespmem:v0+s20+$0x10 ss:$0x1] =	vst.idx.msk $0xffff, v3  }
0x35: {  	v59 =	vld [tilespmem:s21+$0xFFFFFFF0];
	[tilespmem:v0+s20+$0x20 ss:$0x1] =	vst.idx.msk $0xffff, v5  }
0x36: {  	s22 =	sshra.s32 s22, $0x2;
	v60 =	vld [tilespmem:s21+$0x0];
	[tilespmem:v0+s20+$0xFFFFFFC0 ss:$0x1] =	vst.idx.msk $0xffff, v2  }
0x37: {  	v61 =	vld [tilespmem:s21+$0x10];
	[tilespmem:v0+s22+$0x30 ss:$0x1] =	vst.idx.msk $0xffff, v4  }
0x38: {  	v62 =	vld [tilespmem:s21+$0x20];
	s19 =	sadd.s32 $0x1, s19;
	[tilespmem:v0+s22+$0xFFFFFFD0 ss:$0x1] =	vst.idx.msk $0xffff, v6  }
0x39: {  	v63 =	vld [tilespmem:s21+$0xFFFFFFC0];
	p0 =	sne.s32 s19, $0x4;
	[tilespmem:v0+s22+$0xFFFFFFE0 ss:$0x1] =	vst.idx.msk $0xffff, v58  }
.Ltmp4:
0x3a: {  	[tilespmem:v0+s22+$0xFFFFFFF0 ss:$0x1] =	vst.idx.msk $0xffff, v59;
	(pc) =	sbr.rel @p0 .LBB1_4-.Ltmp4, $4  }
0x3b: {  	[tilespmem:v0+s22+$0x0 ss:$0x1] =	vst.idx.msk $0xffff, v60  }
0x3c: {  	[tilespmem:v0+s22+$0x10 ss:$0x1] =	vst.idx.msk $0xffff, v61  }
0x3d: {  	[tilespmem:v0+s22+$0x20 ss:$0x1] =	vst.idx.msk $0xffff, v62  }
0x3e: {  	s18 =	sadd.s32 $0x400, s18;
	s17 =	sadd.s32 $0x80, s17;
	[tilespmem:v0+s22+$0xFFFFFFC0 ss:$0x1] =	vst.idx.msk $0xffff, v63  }
0x3f: {  	s16 =	sadd.s32 $0x1, s16  }
0x40: {  	p0 =	sne.s32 s16, $0x4  }
.Ltmp5:
0x41: {  	_ = 	snop;
	(pc) =	sbr.rel @p0 .LBB1_3-.Ltmp5, $2  }
0x42: {  	_ =	sdelay $0x2  }
0x43: {  	s13 =	sadd.s32 $0x1000, s13;
	s14 =	sadd.s32 $0x1000, s14  }
.Ltmp6:
0x44: {  	(pc) =	sbr.rel .LBB1_9-.Ltmp6, $4  }
0x45: {  	_ = 	snop  }
0x46: {  	s12 =	sshll.u32 s12, $0x9  }
0x47: {  	s12 =	sadd.s32 s4, s12  }
0x48: {  	[hbm4b:s12+s8] =	stream.linear.scatter [tilespmem:s15], [sflag:$0x2], $0x4000, $0x38;
	[tilespmem:$0x10000] =	vst v63  }
.LBB1_10:
0x49: {  	_ =	sfence.sel $0x180000  }
0x4a: {  	s2 =	simm.s32 $0x1;
	[bflag:$0x0] =	sbarrier.arrive $0xFFFF  }
0x4b: {  	s31 =	simm.s32 $0x2;
	[sflag:s2] =	ssyncpa.u1 $0x1  }
0x4c: {  	[sflag:s31] =	ssyncpa.u1 $0x1  }
0x4d: {  	p0 =	sne.s32 s0, $0x0;
	_ =	strace $0x90000047  }
0x4e: {  	s0 =	sadd.s32 @!p0 $0x100000, s1;
	[bflag:$0x2] =	sbarrier.arrive $0xFFFF  }
0x4f: {  	[sflag:s0] =	ssyncadd.tile.s32 @!p0 $0x1;
	_ =	shalt  }
.Lfunc_end1:
_tile_overlayer_lowered:
.L_overlay_start_2:
0x50: {  	(tag) =	ssettag $0x2  }
0x51: {  	s0 =	rddreg [dreg:$0x0];
	s2 =	stileid.u32  }
0x52: {  	s1 =	rddreg [dreg:$0x1];
	p0 =	sne.s32 s2, $0x0  }
0x53: {  	s3 =	rddreg [dreg:$0x2];
	[bflag:$0x3] =	sbarrier.arrive $0xFFFF;
	s2 =	simm.s32 @!p0 $0x1C01  }
0x54: {  	[timem:s3], [sflag:s2] =	dma.local @!p0 [hbm:s0], s1  }
0x55: {  	s0 =	simm.s32 @!p0 $0x1  }
0x56: {  	_ =	swait.ge @!p0 [sflag:s0], s1  }
0x57: {  	s1 =	ssub.s32 @!p0 $0x0, s1;
	[sflag:s0] =	ssyncset.done @!p0 $0x0  }
0x58: {  	[sflag:s0] =	ssyncadd.s32 @!p0 s1  }
0x59: {  	[bflag:$0x3] =	sbarrier.arrive $0xFFFF  }
0x5a: {  	_ =	shalt  }

</sc_bundles>
